<compile_context>
chip_gen: v7x
topology: tpu7x:2x2x1
jax: 0.10.2.dev20260603
libtpu: 0.0.44.dev20260713+nightly
codegen_flags: <defaults>
</compile_context>

<pallas_src>
import functools
import math

import jax
import jax.numpy as jnp
from jax import lax
from jax.experimental import pallas as pl
from jax.experimental.pallas import tpu as pltpu
from jax.experimental.pallas import tpu_sc as plsc

_EMBED = 64
_ROWS = 4096
_COLS = 200
_B = _ROWS * _COLS
_NW = 32
_XR_PER_W = _ROWS // _NW
_PER_W = _XR_PER_W * _COLS
_NBUF = 4
_NSTEP = _XR_PER_W // _NBUF
_SCALE = math.sqrt(_EMBED)

_mesh = plsc.VectorSubcoreMesh(core_axis_name="c", subcore_axis_name="s")


@functools.partial(
    pl.kernel,
    mesh=_mesh,
    out_type=jax.ShapeDtypeStruct((_ROWS, _COLS, _EMBED), jnp.float32),
    scratch_types=[
        pltpu.VMEM((_PER_W,), jnp.int32),
        pltpu.VMEM((_NBUF, _COLS, _EMBED), jnp.float32),
        pltpu.VMEM((_NBUF, _COLS, _EMBED), jnp.float32),
        pltpu.SemaphoreType.DMA((_NBUF,)),
        pltpu.SemaphoreType.DMA((_NBUF,)),
    ],
    compiler_params=pltpu.CompilerParams(use_tc_tiling_on_sc=False),
)
def _embed_lookup(x_hbm, table_hbm, out_hbm, idx_all, gbuf, sbuf, gsem, ssem):
    wid = lax.axis_index("s") * 2 + lax.axis_index("c")
    xr0 = wid * _XR_PER_W

    pltpu.sync_copy(x_hbm.at[pl.ds(wid * _PER_W, _PER_W)], idx_all)

    def gather_cp(k, b):
        return pltpu.make_async_copy(
            table_hbm.at[idx_all.at[pl.ds(k * _COLS, _COLS)]],
            gbuf.at[b], gsem.at[b])

    def store_cp(k, b):
        return pltpu.make_async_copy(
            sbuf.at[b], out_hbm.at[xr0 + k], ssem.at[b])

    for b in range(_NBUF):
        gather_cp(b, b).start()

    def step(s, carry):
        for b in range(_NBUF):
            k = s * _NBUF + b
            gather_cp(k, b).wait()

            @pl.when(s > 0)
            def _():
                store_cp(k - _NBUF, b).wait()

            def scale_row(i, c, b=b):
                for j in range(_EMBED // 16):
                    sl = pl.ds(j * 16, 16)
                    sbuf[b, i, sl] = gbuf[b, i, sl] * _SCALE
                return c

            lax.fori_loop(0, _COLS, scale_row, 0)
            store_cp(k, b).start()

            @pl.when(s < _NSTEP - 1)
            def _():
                gather_cp(k + _NBUF, b).start()

        return carry

    lax.fori_loop(0, _NSTEP, step, 0)

    for b in range(_NBUF):
        store_cp((_NSTEP - 1) * _NBUF + b, b).wait()


def kernel(x, table):
    return _embed_lookup(x.reshape(_B), table)

# --- scband reference (transcript-rebuilt; emitter-appended) ---
"""Pipeline reference for scband-token-embedding-22127671509037 (READ-ONLY COPY).

The authoritative reference and input builder live on the scoring server;
editing this copy changes nothing except your own understanding.
"""

import math
import jax, jax.numpy as jnp
import numpy as np

VOCAB = 1000000
EMBED_DIM = 64

def setup_inputs(seed: int = 0) -> dict:
    key = jax.random.key(seed)
    k1, k2 = jax.random.split(key)
    x = jax.random.randint(k1, (4096, 200), 0, VOCAB, dtype=jnp.int64) if jax.config.jax_enable_x64 else jax.random.randint(k1, (4096, 200), 0, VOCAB, dtype=jnp.int32)
    table = jax.random.normal(k2, (VOCAB, EMBED_DIM), dtype=jnp.float32)
    return {"x": x, "table": table}

def reference(x, table):
    # nn.Embedding lookup: gather rows of the table by token index
    emb = jnp.take(table, x, axis=0)
    # scale by sqrt(embedding_dim)
    return emb * math.sqrt(EMBED_DIM)

if __name__ == "__main__":
    import jax
    _d = setup_inputs()
    print(jax.jit(kernel)(*tuple(_d.values())))

</pallas_src>

<mosaic_0001>
#map = affine_map<(d0, d1) -> (0)>
#map1 = affine_map<(d0, d1) -> (0, 0)>
#map2 = affine_map<(d0, d1) -> (0, 0, 0)>
module attributes {stable_mosaic.version = 14 : i64} {
  func.func @_embed_lookup(%arg0: i32, %arg1: i32, %arg2: memref<819200xi32, #tpu.memory_space<hbm>>, %arg3: memref<1000000x64xf32, #tpu.memory_space<hbm>>, %arg4: memref<4096x200x64xf32, #tpu.memory_space<hbm>>, %arg5: memref<25600xi32, #tpu.memory_space<vmem>>, %arg6: memref<4x200x64xf32, #tpu.memory_space<vmem>>, %arg7: memref<4x200x64xf32, #tpu.memory_space<vmem>>, %arg8: memref<4x!tpu.dma_semaphore, #tpu.memory_space<semaphore_mem>>, %arg9: memref<4x!tpu.dma_semaphore, #tpu.memory_space<semaphore_mem>>) attributes {dimension_semantics = [#tpu.dimension_semantics<core_parallel>, #tpu.dimension_semantics<subcore_parallel>], iteration_bounds = array<i64: 2, 16>, scalar_prefetch = 0 : i64, scratch_operands = 5 : i64, tpu.core_type = #tpu.core_type<sc_vector_subcore>, window_params = [{transform_indices = #map}, {transform_indices = #map1}, {transform_indices = #map2}]} {
    %mul3A = arith.constant 2 : i32
    %mul3A_0 = arith.muli %arg1, %mul3A : i32
    %add3A = arith.addi %mul3A_0, %arg0 : i32
    %mul3A_1 = arith.constant 128 : i32
    %mul3A_2 = arith.muli %add3A, %mul3A_1 : i32
    %mul3A_3 = arith.constant 25600 : i32
    %mul3A_4 = arith.muli %add3A, %mul3A_3 : i32
    "tpu.region"() ({
      %run_scoped3A = tpu.sem_alloc : memref<!tpu.dma_semaphore, #tpu.memory_space<semaphore_mem>>
      %dma_start3A_148 = tpu.memref_slice %arg2[%mul3A_4] : memref<819200xi32, #tpu.memory_space<hbm>> -> memref<25600xi32, #tpu.memory_space<hbm>>
      %dma_start3A_149 = tpu.memref_slice %arg2[%mul3A_4] : memref<819200xi32, #tpu.memory_space<hbm>> -> memref<25600xi32, #tpu.memory_space<hbm>>
      tpu.enqueue_dma source(%dma_start3A_149 : memref<25600xi32, #tpu.memory_space<hbm>>) target(%arg5 : memref<25600xi32, #tpu.memory_space<vmem>>) target_semaphore(%run_scoped3A : memref<!tpu.dma_semaphore, #tpu.memory_space<semaphore_mem>>)
      %dma_wait3A_150 = tpu.memref_slice %arg2[%mul3A_4] : memref<819200xi32, #tpu.memory_space<hbm>> -> memref<25600xi32, #tpu.memory_space<hbm>>
      %dma_wait3A_151 = tpu.memref_slice %arg2[%mul3A_4] : memref<819200xi32, #tpu.memory_space<hbm>> -> memref<25600xi32, #tpu.memory_space<hbm>>
      tpu.wait_dma2 semaphore(%run_scoped3A : memref<!tpu.dma_semaphore, #tpu.memory_space<semaphore_mem>>) src(%dma_wait3A_151 : memref<25600xi32, #tpu.memory_space<hbm>>) dst(%arg5 : memref<25600xi32, #tpu.memory_space<vmem>>)
      tpu.yield
    }) : () -> ()
    %dma_start3A = arith.constant 0 : i32
    %dma_start3A_5 = arith.constant 0 : i32
    %dma_start3A_6 = arith.constant 0 : i32
    %dma_start3A_7 = arith.constant 0 : i32
    %dma_start3A_8 = tpu.memref_slice %arg6[%dma_start3A, %dma_start3A_6, %dma_start3A_7] : memref<4x200x64xf32, #tpu.memory_space<vmem>> -> memref<1x200x64xf32, #tpu.memory_space<vmem>>
    %dma_start3A_9 = tpu.memref_squeeze %dma_start3A_8 : memref<1x200x64xf32, #tpu.memory_space<vmem>> -> memref<200x64xf32, #tpu.memory_space<vmem>>
    %dma_start3A_10 = arith.constant 0 : i32
    %dma_start3A_11 = tpu.memref_slice %arg5[%dma_start3A_10] : memref<25600xi32, #tpu.memory_space<vmem>> -> memref<200xi32, #tpu.memory_space<vmem>>
    %dma_start3A_12 = arith.constant 0 : i32
    %dma_start3A_13 = arith.constant 0 : i32
    %dma_start3A_14 = tpu.memref_slice %arg3[%dma_start3A_12, %dma_start3A_13] : memref<1000000x64xf32, #tpu.memory_space<hbm>> -> memref<1000000x64xf32, #tpu.memory_space<hbm>>
    %dma_start3A_15 = tpu.memref_slice %arg8[%dma_start3A_5] : memref<4x!tpu.dma_semaphore, #tpu.memory_space<semaphore_mem>> -> memref<1x!tpu.dma_semaphore, #tpu.memory_space<semaphore_mem>>
    %dma_start3A_16 = tpu.memref_squeeze %dma_start3A_15 : memref<1x!tpu.dma_semaphore, #tpu.memory_space<semaphore_mem>> -> memref<!tpu.dma_semaphore, #tpu.memory_space<semaphore_mem>>
    tpu.enqueue_indirect_dma source(%dma_start3A_14 : memref<1000000x64xf32, #tpu.memory_space<hbm>>) target(%dma_start3A_9 : memref<200x64xf32, #tpu.memory_space<vmem>>) offsets(%dma_start3A_11 : memref<200xi32, #tpu.memory_space<vmem>>) semaphore(%dma_start3A_16 : memref<!tpu.dma_semaphore, #tpu.memory_space<semaphore_mem>>)
    %dma_start3A_17 = arith.constant 1 : i32
    %dma_start3A_18 = arith.constant 1 : i32
    %dma_start3A_19 = arith.constant 0 : i32
    %dma_start3A_20 = arith.constant 0 : i32
    %dma_start3A_21 = tpu.memref_slice %arg6[%dma_start3A_17, %dma_start3A_19, %dma_start3A_20] : memref<4x200x64xf32, #tpu.memory_space<vmem>> -> memref<1x200x64xf32, #tpu.memory_space<vmem>>
    %dma_start3A_22 = tpu.memref_squeeze %dma_start3A_21 : memref<1x200x64xf32, #tpu.memory_space<vmem>> -> memref<200x64xf32, #tpu.memory_space<vmem>>
    %dma_start3A_23 = arith.constant 200 : i32
    %dma_start3A_24 = tpu.memref_slice %arg5[%dma_start3A_23] : memref<25600xi32, #tpu.memory_space<vmem>> -> memref<200xi32, #tpu.memory_space<vmem>>
    %dma_start3A_25 = arith.constant 0 : i32
    %dma_start3A_26 = arith.constant 0 : i32
    %dma_start3A_27 = tpu.memref_slice %arg3[%dma_start3A_25, %dma_start3A_26] : memref<1000000x64xf32, #tpu.memory_space<hbm>> -> memref<1000000x64xf32, #tpu.memory_space<hbm>>
    %dma_start3A_28 = tpu.memref_slice %arg8[%dma_start3A_18] : memref<4x!tpu.dma_semaphore, #tpu.memory_space<semaphore_mem>> -> memref<1x!tpu.dma_semaphore, #tpu.memory_space<semaphore_mem>>
    %dma_start3A_29 = tpu.memref_squeeze %dma_start3A_28 : memref<1x!tpu.dma_semaphore, #tpu.memory_space<semaphore_mem>> -> memref<!tpu.dma_semaphore, #tpu.memory_space<semaphore_mem>>
    tpu.enqueue_indirect_dma source(%dma_start3A_27 : memref<1000000x64xf32, #tpu.memory_space<hbm>>) target(%dma_start3A_22 : memref<200x64xf32, #tpu.memory_space<vmem>>) offsets(%dma_start3A_24 : memref<200xi32, #tpu.memory_space<vmem>>) semaphore(%dma_start3A_29 : memref<!tpu.dma_semaphore, #tpu.memory_space<semaphore_mem>>)
    %dma_start3A_30 = arith.constant 2 : i32
    %dma_start3A_31 = arith.constant 2 : i32
    %dma_start3A_32 = arith.constant 0 : i32
    %dma_start3A_33 = arith.constant 0 : i32
    %dma_start3A_34 = tpu.memref_slice %arg6[%dma_start3A_30, %dma_start3A_32, %dma_start3A_33] : memref<4x200x64xf32, #tpu.memory_space<vmem>> -> memref<1x200x64xf32, #tpu.memory_space<vmem>>
    %dma_start3A_35 = tpu.memref_squeeze %dma_start3A_34 : memref<1x200x64xf32, #tpu.memory_space<vmem>> -> memref<200x64xf32, #tpu.memory_space<vmem>>
    %dma_start3A_36 = arith.constant 400 : i32
    %dma_start3A_37 = tpu.memref_slice %arg5[%dma_start3A_36] : memref<25600xi32, #tpu.memory_space<vmem>> -> memref<200xi32, #tpu.memory_space<vmem>>
    %dma_start3A_38 = arith.constant 0 : i32
    %dma_start3A_39 = arith.constant 0 : i32
    %dma_start3A_40 = tpu.memref_slice %arg3[%dma_start3A_38, %dma_start3A_39] : memref<1000000x64xf32, #tpu.memory_space<hbm>> -> memref<1000000x64xf32, #tpu.memory_space<hbm>>
    %dma_start3A_41 = tpu.memref_slice %arg8[%dma_start3A_31] : memref<4x!tpu.dma_semaphore, #tpu.memory_space<semaphore_mem>> -> memref<1x!tpu.dma_semaphore, #tpu.memory_space<semaphore_mem>>
    %dma_start3A_42 = tpu.memref_squeeze %dma_start3A_41 : memref<1x!tpu.dma_semaphore, #tpu.memory_space<semaphore_mem>> -> memref<!tpu.dma_semaphore, #tpu.memory_space<semaphore_mem>>
    tpu.enqueue_indirect_dma source(%dma_start3A_40 : memref<1000000x64xf32, #tpu.memory_space<hbm>>) target(%dma_start3A_35 : memref<200x64xf32, #tpu.memory_space<vmem>>) offsets(%dma_start3A_37 : memref<200xi32, #tpu.memory_space<vmem>>) semaphore(%dma_start3A_42 : memref<!tpu.dma_semaphore, #tpu.memory_space<semaphore_mem>>)
    %dma_start3A_43 = arith.constant 3 : i32
    %dma_start3A_44 = arith.constant 3 : i32
    %dma_start3A_45 = arith.constant 0 : i32
    %dma_start3A_46 = arith.constant 0 : i32
    %dma_start3A_47 = tpu.memref_slice %arg6[%dma_start3A_43, %dma_start3A_45, %dma_start3A_46] : memref<4x200x64xf32, #tpu.memory_space<vmem>> -> memref<1x200x64xf32, #tpu.memory_space<vmem>>
    %dma_start3A_48 = tpu.memref_squeeze %dma_start3A_47 : memref<1x200x64xf32, #tpu.memory_space<vmem>> -> memref<200x64xf32, #tpu.memory_space<vmem>>
    %dma_start3A_49 = arith.constant 600 : i32
    %dma_start3A_50 = tpu.memref_slice %arg5[%dma_start3A_49] : memref<25600xi32, #tpu.memory_space<vmem>> -> memref<200xi32, #tpu.memory_space<vmem>>
    %dma_start3A_51 = arith.constant 0 : i32
    %dma_start3A_52 = arith.constant 0 : i32
    %dma_start3A_53 = tpu.memref_slice %arg3[%dma_start3A_51, %dma_start3A_52] : memref<1000000x64xf32, #tpu.memory_space<hbm>> -> memref<1000000x64xf32, #tpu.memory_space<hbm>>
    %dma_start3A_54 = tpu.memref_slice %arg8[%dma_start3A_44] : memref<4x!tpu.dma_semaphore, #tpu.memory_space<semaphore_mem>> -> memref<1x!tpu.dma_semaphore, #tpu.memory_space<semaphore_mem>>
    %dma_start3A_55 = tpu.memref_squeeze %dma_start3A_54 : memref<1x!tpu.dma_semaphore, #tpu.memory_space<semaphore_mem>> -> memref<!tpu.dma_semaphore, #tpu.memory_space<semaphore_mem>>
    tpu.enqueue_indirect_dma source(%dma_start3A_53 : memref<1000000x64xf32, #tpu.memory_space<hbm>>) target(%dma_start3A_48 : memref<200x64xf32, #tpu.memory_space<vmem>>) offsets(%dma_start3A_50 : memref<200xi32, #tpu.memory_space<vmem>>) semaphore(%dma_start3A_55 : memref<!tpu.dma_semaphore, #tpu.memory_space<semaphore_mem>>)
    %scan3A = arith.constant 0 : i32
    %scan3A_56 = arith.constant 0 : i32
    %scan3A_57 = arith.constant 32 : i32
    %scan3A_58 = arith.addi %scan3A_56, %scan3A_57 : i32
    %scan3A_59 = arith.constant 1 : i32
    scf.for %scan3A_148 = %scan3A_56 to %scan3A_58 step %scan3A_59  : i32 {
      %mul3A_149 = arith.constant 4 : i32
      %mul3A_150 = arith.muli %scan3A_148, %mul3A_149 : i32
      %add3A_151 = arith.constant 0 : i32
      %add3A_152 = arith.addi %mul3A_150, %add3A_151 : i32
      %mul3A_153 = arith.constant 200 : i32
      %mul3A_154 = arith.muli %add3A_152, %mul3A_153 : i32
      %dma_wait3A_155 = arith.constant 0 : i32
      %dma_wait3A_156 = arith.constant 0 : i32
      %dma_wait3A_157 = arith.constant 0 : i32
      %dma_wait3A_158 = arith.constant 0 : i32
      %dma_wait3A_159 = tpu.memref_slice %arg6[%dma_wait3A_155, %dma_wait3A_157, %dma_wait3A_158] : memref<4x200x64xf32, #tpu.memory_space<vmem>> -> memref<1x200x64xf32, #tpu.memory_space<vmem>>
      %dma_wait3A_160 = tpu.memref_squeeze %dma_wait3A_159 : memref<1x200x64xf32, #tpu.memory_space<vmem>> -> memref<200x64xf32, #tpu.memory_space<vmem>>
      %dma_wait3A_161 = tpu.memref_slice %arg5[%mul3A_154] : memref<25600xi32, #tpu.memory_space<vmem>> -> memref<200xi32, #tpu.memory_space<vmem>>
      %dma_wait3A_162 = arith.constant 0 : i32
      %dma_wait3A_163 = arith.constant 0 : i32
      %dma_wait3A_164 = tpu.memref_slice %arg3[%dma_wait3A_162, %dma_wait3A_163] : memref<1000000x64xf32, #tpu.memory_space<hbm>> -> memref<1000000x64xf32, #tpu.memory_space<hbm>>
      %dma_wait3A_165 = tpu.memref_slice %arg8[%dma_wait3A_156] : memref<4x!tpu.dma_semaphore, #tpu.memory_space<semaphore_mem>> -> memref<1x!tpu.dma_semaphore, #tpu.memory_space<semaphore_mem>>
      %dma_wait3A_166 = tpu.memref_squeeze %dma_wait3A_165 : memref<1x!tpu.dma_semaphore, #tpu.memory_space<semaphore_mem>> -> memref<!tpu.dma_semaphore, #tpu.memory_space<semaphore_mem>>
      tpu.wait_indirect_dma semaphore(%dma_wait3A_166 : memref<!tpu.dma_semaphore, #tpu.memory_space<semaphore_mem>>) src(%dma_wait3A_164 : memref<1000000x64xf32, #tpu.memory_space<hbm>>) dst(%dma_wait3A_160 : memref<200x64xf32, #tpu.memory_space<vmem>>)
      %gt3A = arith.constant 0 : i32
      %gt3A_167 = arith.cmpi sgt, %scan3A_148, %gt3A : i32
      %convert_element_type3A = arith.extui %gt3A_167 : i1 to i32
      %cond3A = arith.constant 0 : i32
      %cond3A_168 = arith.cmpi ne, %convert_element_type3A, %cond3A : i32
      scf.if %cond3A_168 {
        %sub3A = arith.constant 4 : i32
        %sub3A_365 = arith.subi %add3A_152, %sub3A : i32
        %add3A_366 = arith.addi %mul3A_2, %sub3A_365 : i32
        %dma_wait3A_367 = arith.constant 0 : i32
        %dma_wait3A_368 = arith.constant 0 : i32
        %dma_wait3A_369 = arith.constant 0 : i32
        %dma_wait3A_370 = arith.constant 0 : i32
        %dma_wait3A_371 = tpu.memref_slice %arg7[%dma_wait3A_367, %dma_wait3A_369, %dma_wait3A_370] : memref<4x200x64xf32, #tpu.memory_space<vmem>> -> memref<1x200x64xf32, #tpu.memory_space<vmem>>
        %dma_wait3A_372 = tpu.memref_squeeze %dma_wait3A_371 : memref<1x200x64xf32, #tpu.memory_space<vmem>> -> memref<200x64xf32, #tpu.memory_space<vmem>>
        %dma_wait3A_373 = arith.constant 0 : i32
        %dma_wait3A_374 = arith.constant 0 : i32
        %dma_wait3A_375 = tpu.memref_slice %arg4[%add3A_366, %dma_wait3A_373, %dma_wait3A_374] : memref<4096x200x64xf32, #tpu.memory_space<hbm>> -> memref<1x200x64xf32, #tpu.memory_space<hbm>>
        %dma_wait3A_376 = tpu.memref_squeeze %dma_wait3A_375 : memref<1x200x64xf32, #tpu.memory_space<hbm>> -> memref<200x64xf32, #tpu.memory_space<hbm>>
        %dma_wait3A_377 = tpu.memref_slice %arg9[%dma_wait3A_368] : memref<4x!tpu.dma_semaphore, #tpu.memory_space<semaphore_mem>> -> memref<1x!tpu.dma_semaphore, #tpu.memory_space<semaphore_mem>>
        %dma_wait3A_378 = tpu.memref_squeeze %dma_wait3A_377 : memref<1x!tpu.dma_semaphore, #tpu.memory_space<semaphore_mem>> -> memref<!tpu.dma_semaphore, #tpu.memory_space<semaphore_mem>>
        %dma_wait3A_379 = arith.constant 0 : i32
        %dma_wait3A_380 = arith.constant 0 : i32
        %dma_wait3A_381 = tpu.memref_slice %arg4[%add3A_366, %dma_wait3A_379, %dma_wait3A_380] : memref<4096x200x64xf32, #tpu.memory_space<hbm>> -> memref<1x200x64xf32, #tpu.memory_space<hbm>>
        %dma_wait3A_382 = tpu.memref_squeeze %dma_wait3A_381 : memref<1x200x64xf32, #tpu.memory_space<hbm>> -> memref<200x64xf32, #tpu.memory_space<hbm>>
        %dma_wait3A_383 = arith.constant 0 : i32
        %dma_wait3A_384 = arith.constant 0 : i32
        %dma_wait3A_385 = tpu.memref_slice %arg7[%dma_wait3A_367, %dma_wait3A_383, %dma_wait3A_384] : memref<4x200x64xf32, #tpu.memory_space<vmem>> -> memref<1x200x64xf32, #tpu.memory_space<vmem>>
        %dma_wait3A_386 = tpu.memref_squeeze %dma_wait3A_385 : memref<1x200x64xf32, #tpu.memory_space<vmem>> -> memref<200x64xf32, #tpu.memory_space<vmem>>
        tpu.wait_dma2 semaphore(%dma_wait3A_378 : memref<!tpu.dma_semaphore, #tpu.memory_space<semaphore_mem>>) src(%dma_wait3A_386 : memref<200x64xf32, #tpu.memory_space<vmem>>) dst(%dma_wait3A_382 : memref<200x64xf32, #tpu.memory_space<hbm>>)
      } else {
      }
      %scan3A_169 = arith.constant 0 : i32
      %scan3A_170 = arith.constant 0 : i32
      %scan3A_171 = arith.constant 200 : i32
      %scan3A_172 = arith.addi %scan3A_170, %scan3A_171 : i32
      %scan3A_173 = arith.constant 1 : i32
      scf.for %scan3A_365 = %scan3A_170 to %scan3A_172 step %scan3A_173  : i32 {
        %get3A = arith.constant 0 : i32
        %get3A_366 = arith.index_cast %get3A : i32 to index
        %get3A_367 = arith.index_cast %scan3A_365 : i32 to index
        %get3A_368 = arith.constant 0 : index
        %get3A_369 = tpu.vector_load %arg6[%get3A_366, %get3A_367, %get3A_368] {strides = array<i32>} : memref<4x200x64xf32, #tpu.memory_space<vmem>>, vector<1x1x16xf32>,
        %get3A_370 = vector.shape_cast %get3A_369 : vector<1x1x16xf32> to vector<16xf32>
        %mul3A_371 = arith.constant 8.000000e+00 : f32
        %mul3A_372 = vector.broadcast %mul3A_371 : f32 to vector<16xf32>
        %mul3A_373 = arith.mulf %get3A_370, %mul3A_372 : vector<16xf32>
        %swap3A = arith.constant 0 : i32
        %swap3A_374 = arith.index_cast %swap3A : i32 to index
        %swap3A_375 = arith.index_cast %scan3A_365 : i32 to index
        %swap3A_376 = arith.constant 0 : index
        %swap3A_377 = tpu.vector_load %arg7[%swap3A_374, %swap3A_375, %swap3A_376] {strides = array<i32>} : memref<4x200x64xf32, #tpu.memory_space<vmem>>, vector<1x1x16xf32>,
        %swap3A_378 = vector.shape_cast %swap3A_377 : vector<1x1x16xf32> to vector<16xf32>
        %swap3A_379 = vector.shape_cast %mul3A_373 : vector<16xf32> to vector<1x1x16xf32>
        tpu.vector_store %arg7[%swap3A_374, %swap3A_375, %swap3A_376], %swap3A_379 {strides = array<i32>} : memref<4x200x64xf32, #tpu.memory_space<vmem>>, vector<1x1x16xf32>,
        %get3A_380 = arith.constant 0 : i32
        %get3A_381 = arith.index_cast %get3A_380 : i32 to index
        %get3A_382 = arith.index_cast %scan3A_365 : i32 to index
        %get3A_383 = arith.constant 16 : index
        %get3A_384 = tpu.vector_load %arg6[%get3A_381, %get3A_382, %get3A_383] {strides = array<i32>} : memref<4x200x64xf32, #tpu.memory_space<vmem>>, vector<1x1x16xf32>,
        %get3A_385 = vector.shape_cast %get3A_384 : vector<1x1x16xf32> to vector<16xf32>
        %mul3A_386 = arith.constant 8.000000e+00 : f32
        %mul3A_387 = vector.broadcast %mul3A_386 : f32 to vector<16xf32>
        %mul3A_388 = arith.mulf %get3A_385, %mul3A_387 : vector<16xf32>
        %swap3A_389 = arith.constant 0 : i32
        %swap3A_390 = arith.index_cast %swap3A_389 : i32 to index
        %swap3A_391 = arith.index_cast %scan3A_365 : i32 to index
        %swap3A_392 = arith.constant 16 : index
        %swap3A_393 = tpu.vector_load %arg7[%swap3A_390, %swap3A_391, %swap3A_392] {strides = array<i32>} : memref<4x200x64xf32, #tpu.memory_space<vmem>>, vector<1x1x16xf32>,
        %swap3A_394 = vector.shape_cast %swap3A_393 : vector<1x1x16xf32> to vector<16xf32>
        %swap3A_395 = vector.shape_cast %mul3A_388 : vector<16xf32> to vector<1x1x16xf32>
        tpu.vector_store %arg7[%swap3A_390, %swap3A_391, %swap3A_392], %swap3A_395 {strides = array<i32>} : memref<4x200x64xf32, #tpu.memory_space<vmem>>, vector<1x1x16xf32>,
        %get3A_396 = arith.constant 0 : i32
        %get3A_397 = arith.index_cast %get3A_396 : i32 to index
        %get3A_398 = arith.index_cast %scan3A_365 : i32 to index
        %get3A_399 = arith.constant 32 : index
        %get3A_400 = tpu.vector_load %arg6[%get3A_397, %get3A_398, %get3A_399] {strides = array<i32>} : memref<4x200x64xf32, #tpu.memory_space<vmem>>, vector<1x1x16xf32>,
        %get3A_401 = vector.shape_cast %get3A_400 : vector<1x1x16xf32> to vector<16xf32>
        %mul3A_402 = arith.constant 8.000000e+00 : f32
        %mul3A_403 = vector.broadcast %mul3A_402 : f32 to vector<16xf32>
        %mul3A_404 = arith.mulf %get3A_401, %mul3A_403 : vector<16xf32>
        %swap3A_405 = arith.constant 0 : i32
        %swap3A_406 = arith.index_cast %swap3A_405 : i32 to index
        %swap3A_407 = arith.index_cast %scan3A_365 : i32 to index
        %swap3A_408 = arith.constant 32 : index
        %swap3A_409 = tpu.vector_load %arg7[%swap3A_406, %swap3A_407, %swap3A_408] {strides = array<i32>} : memref<4x200x64xf32, #tpu.memory_space<vmem>>, vector<1x1x16xf32>,
        %swap3A_410 = vector.shape_cast %swap3A_409 : vector<1x1x16xf32> to vector<16xf32>
        %swap3A_411 = vector.shape_cast %mul3A_404 : vector<16xf32> to vector<1x1x16xf32>
        tpu.vector_store %arg7[%swap3A_406, %swap3A_407, %swap3A_408], %swap3A_411 {strides = array<i32>} : memref<4x200x64xf32, #tpu.memory_space<vmem>>, vector<1x1x16xf32>,
        %get3A_412 = arith.constant 0 : i32
        %get3A_413 = arith.index_cast %get3A_412 : i32 to index
        %get3A_414 = arith.index_cast %scan3A_365 : i32 to index
        %get3A_415 = arith.constant 48 : index
        %get3A_416 = tpu.vector_load %arg6[%get3A_413, %get3A_414, %get3A_415] {strides = array<i32>} : memref<4x200x64xf32, #tpu.memory_space<vmem>>, vector<1x1x16xf32>,
        %get3A_417 = vector.shape_cast %get3A_416 : vector<1x1x16xf32> to vector<16xf32>
        %mul3A_418 = arith.constant 8.000000e+00 : f32
        %mul3A_419 = vector.broadcast %mul3A_418 : f32 to vector<16xf32>
        %mul3A_420 = arith.mulf %get3A_417, %mul3A_419 : vector<16xf32>
        %swap3A_421 = arith.constant 0 : i32
        %swap3A_422 = arith.index_cast %swap3A_421 : i32 to index
        %swap3A_423 = arith.index_cast %scan3A_365 : i32 to index
        %swap3A_424 = arith.constant 48 : index
        %swap3A_425 = tpu.vector_load %arg7[%swap3A_422, %swap3A_423, %swap3A_424] {strides = array<i32>} : memref<4x200x64xf32, #tpu.memory_space<vmem>>, vector<1x1x16xf32>,
        %swap3A_426 = vector.shape_cast %swap3A_425 : vector<1x1x16xf32> to vector<16xf32>
        %swap3A_427 = vector.shape_cast %mul3A_420 : vector<16xf32> to vector<1x1x16xf32>
        tpu.vector_store %arg7[%swap3A_422, %swap3A_423, %swap3A_424], %swap3A_427 {strides = array<i32>} : memref<4x200x64xf32, #tpu.memory_space<vmem>>, vector<1x1x16xf32>,
      }
      %scan3A_174 = arith.constant 200 : i32
      %add3A_175 = arith.addi %mul3A_2, %add3A_152 : i32
      %dma_start3A_176 = arith.constant 0 : i32
      %dma_start3A_177 = arith.constant 0 : i32
      %dma_start3A_178 = arith.constant 0 : i32
      %dma_start3A_179 = arith.constant 0 : i32
      %dma_start3A_180 = tpu.memref_slice %arg7[%dma_start3A_176, %dma_start3A_178, %dma_start3A_179] : memref<4x200x64xf32, #tpu.memory_space<vmem>> -> memref<1x200x64xf32, #tpu.memory_space<vmem>>
      %dma_start3A_181 = tpu.memref_squeeze %dma_start3A_180 : memref<1x200x64xf32, #tpu.memory_space<vmem>> -> memref<200x64xf32, #tpu.memory_space<vmem>>
      %dma_start3A_182 = arith.constant 0 : i32
      %dma_start3A_183 = arith.constant 0 : i32
      %dma_start3A_184 = tpu.memref_slice %arg4[%add3A_175, %dma_start3A_182, %dma_start3A_183] : memref<4096x200x64xf32, #tpu.memory_space<hbm>> -> memref<1x200x64xf32, #tpu.memory_space<hbm>>
      %dma_start3A_185 = tpu.memref_squeeze %dma_start3A_184 : memref<1x200x64xf32, #tpu.memory_space<hbm>> -> memref<200x64xf32, #tpu.memory_space<hbm>>
      %dma_start3A_186 = tpu.memref_slice %arg9[%dma_start3A_177] : memref<4x!tpu.dma_semaphore, #tpu.memory_space<semaphore_mem>> -> memref<1x!tpu.dma_semaphore, #tpu.memory_space<semaphore_mem>>
      %dma_start3A_187 = tpu.memref_squeeze %dma_start3A_186 : memref<1x!tpu.dma_semaphore, #tpu.memory_space<semaphore_mem>> -> memref<!tpu.dma_semaphore, #tpu.memory_space<semaphore_mem>>
      %dma_start3A_188 = arith.constant 0 : i32
      %dma_start3A_189 = arith.constant 0 : i32
      %dma_start3A_190 = tpu.memref_slice %arg4[%add3A_175, %dma_start3A_188, %dma_start3A_189] : memref<4096x200x64xf32, #tpu.memory_space<hbm>> -> memref<1x200x64xf32, #tpu.memory_space<hbm>>
      %dma_start3A_191 = tpu.memref_squeeze %dma_start3A_190 : memref<1x200x64xf32, #tpu.memory_space<hbm>> -> memref<200x64xf32, #tpu.memory_space<hbm>>
      %dma_start3A_192 = arith.constant 0 : i32
      %dma_start3A_193 = arith.constant 0 : i32
      %dma_start3A_194 = tpu.memref_slice %arg7[%dma_start3A_176, %dma_start3A_192, %dma_start3A_193] : memref<4x200x64xf32, #tpu.memory_space<vmem>> -> memref<1x200x64xf32, #tpu.memory_space<vmem>>
      %dma_start3A_195 = tpu.memref_squeeze %dma_start3A_194 : memref<1x200x64xf32, #tpu.memory_space<vmem>> -> memref<200x64xf32, #tpu.memory_space<vmem>>
      tpu.enqueue_dma source(%dma_start3A_195 : memref<200x64xf32, #tpu.memory_space<vmem>>) target(%dma_start3A_191 : memref<200x64xf32, #tpu.memory_space<hbm>>) target_semaphore(%dma_start3A_187 : memref<!tpu.dma_semaphore, #tpu.memory_space<semaphore_mem>>)
      %lt3A = arith.constant 31 : i32
      %lt3A_196 = arith.cmpi slt, %scan3A_148, %lt3A : i32
      %convert_element_type3A_197 = arith.extui %lt3A_196 : i1 to i32
      %cond3A_198 = arith.constant 0 : i32
      %cond3A_199 = arith.cmpi ne, %convert_element_type3A_197, %cond3A_198 : i32
      scf.if %cond3A_199 {
        %add3A_365 = arith.constant 4 : i32
        %add3A_366 = arith.addi %add3A_152, %add3A_365 : i32
        %mul3A_367 = arith.constant 200 : i32
        %mul3A_368 = arith.muli %add3A_366, %mul3A_367 : i32
        %dma_start3A_369 = arith.constant 0 : i32
        %dma_start3A_370 = arith.constant 0 : i32
        %dma_start3A_371 = arith.constant 0 : i32
        %dma_start3A_372 = arith.constant 0 : i32
        %dma_start3A_373 = tpu.memref_slice %arg6[%dma_start3A_369, %dma_start3A_371, %dma_start3A_372] : memref<4x200x64xf32, #tpu.memory_space<vmem>> -> memref<1x200x64xf32, #tpu.memory_space<vmem>>
        %dma_start3A_374 = tpu.memref_squeeze %dma_start3A_373 : memref<1x200x64xf32, #tpu.memory_space<vmem>> -> memref<200x64xf32, #tpu.memory_space<vmem>>
        %dma_start3A_375 = tpu.memref_slice %arg5[%mul3A_368] : memref<25600xi32, #tpu.memory_space<vmem>> -> memref<200xi32, #tpu.memory_space<vmem>>
        %dma_start3A_376 = arith.constant 0 : i32
        %dma_start3A_377 = arith.constant 0 : i32
        %dma_start3A_378 = tpu.memref_slice %arg3[%dma_start3A_376, %dma_start3A_377] : memref<1000000x64xf32, #tpu.memory_space<hbm>> -> memref<1000000x64xf32, #tpu.memory_space<hbm>>
        %dma_start3A_379 = tpu.memref_slice %arg8[%dma_start3A_370] : memref<4x!tpu.dma_semaphore, #tpu.memory_space<semaphore_mem>> -> memref<1x!tpu.dma_semaphore, #tpu.memory_space<semaphore_mem>>
        %dma_start3A_380 = tpu.memref_squeeze %dma_start3A_379 : memref<1x!tpu.dma_semaphore, #tpu.memory_space<semaphore_mem>> -> memref<!tpu.dma_semaphore, #tpu.memory_space<semaphore_mem>>
        tpu.enqueue_indirect_dma source(%dma_start3A_378 : memref<1000000x64xf32, #tpu.memory_space<hbm>>) target(%dma_start3A_374 : memref<200x64xf32, #tpu.memory_space<vmem>>) offsets(%dma_start3A_375 : memref<200xi32, #tpu.memory_space<vmem>>) semaphore(%dma_start3A_380 : memref<!tpu.dma_semaphore, #tpu.memory_space<semaphore_mem>>)
      } else {
      }
      %mul3A_200 = arith.constant 4 : i32
      %mul3A_201 = arith.muli %scan3A_148, %mul3A_200 : i32
      %add3A_202 = arith.constant 1 : i32
      %add3A_203 = arith.addi %mul3A_201, %add3A_202 : i32
      %mul3A_204 = arith.constant 200 : i32
      %mul3A_205 = arith.muli %add3A_203, %mul3A_204 : i32
      %dma_wait3A_206 = arith.constant 1 : i32
      %dma_wait3A_207 = arith.constant 1 : i32
      %dma_wait3A_208 = arith.constant 0 : i32
      %dma_wait3A_209 = arith.constant 0 : i32
      %dma_wait3A_210 = tpu.memref_slice %arg6[%dma_wait3A_206, %dma_wait3A_208, %dma_wait3A_209] : memref<4x200x64xf32, #tpu.memory_space<vmem>> -> memref<1x200x64xf32, #tpu.memory_space<vmem>>
      %dma_wait3A_211 = tpu.memref_squeeze %dma_wait3A_210 : memref<1x200x64xf32, #tpu.memory_space<vmem>> -> memref<200x64xf32, #tpu.memory_space<vmem>>
      %dma_wait3A_212 = tpu.memref_slice %arg5[%mul3A_205] : memref<25600xi32, #tpu.memory_space<vmem>> -> memref<200xi32, #tpu.memory_space<vmem>>
      %dma_wait3A_213 = arith.constant 0 : i32
      %dma_wait3A_214 = arith.constant 0 : i32
      %dma_wait3A_215 = tpu.memref_slice %arg3[%dma_wait3A_213, %dma_wait3A_214] : memref<1000000x64xf32, #tpu.memory_space<hbm>> -> memref<1000000x64xf32, #tpu.memory_space<hbm>>
      %dma_wait3A_216 = tpu.memref_slice %arg8[%dma_wait3A_207] : memref<4x!tpu.dma_semaphore, #tpu.memory_space<semaphore_mem>> -> memref<1x!tpu.dma_semaphore, #tpu.memory_space<semaphore_mem>>
      %dma_wait3A_217 = tpu.memref_squeeze %dma_wait3A_216 : memref<1x!tpu.dma_semaphore, #tpu.memory_space<semaphore_mem>> -> memref<!tpu.dma_semaphore, #tpu.memory_space<semaphore_mem>>
      tpu.wait_indirect_dma semaphore(%dma_wait3A_217 : memref<!tpu.dma_semaphore, #tpu.memory_space<semaphore_mem>>) src(%dma_wait3A_215 : memref<1000000x64xf32, #tpu.memory_space<hbm>>) dst(%dma_wait3A_211 : memref<200x64xf32, #tpu.memory_space<vmem>>)
      %gt3A_218 = arith.constant 0 : i32
      %gt3A_219 = arith.cmpi sgt, %scan3A_148, %gt3A_218 : i32
      %convert_element_type3A_220 = arith.extui %gt3A_219 : i1 to i32
      %cond3A_221 = arith.constant 0 : i32
      %cond3A_222 = arith.cmpi ne, %convert_element_type3A_220, %cond3A_221 : i32
      scf.if %cond3A_222 {
        %sub3A = arith.constant 4 : i32
        %sub3A_365 = arith.subi %add3A_203, %sub3A : i32
        %add3A_366 = arith.addi %mul3A_2, %sub3A_365 : i32
        %dma_wait3A_367 = arith.constant 1 : i32
        %dma_wait3A_368 = arith.constant 1 : i32
        %dma_wait3A_369 = arith.constant 0 : i32
        %dma_wait3A_370 = arith.constant 0 : i32
        %dma_wait3A_371 = tpu.memref_slice %arg7[%dma_wait3A_367, %dma_wait3A_369, %dma_wait3A_370] : memref<4x200x64xf32, #tpu.memory_space<vmem>> -> memref<1x200x64xf32, #tpu.memory_space<vmem>>
        %dma_wait3A_372 = tpu.memref_squeeze %dma_wait3A_371 : memref<1x200x64xf32, #tpu.memory_space<vmem>> -> memref<200x64xf32, #tpu.memory_space<vmem>>
        %dma_wait3A_373 = arith.constant 0 : i32
        %dma_wait3A_374 = arith.constant 0 : i32
        %dma_wait3A_375 = tpu.memref_slice %arg4[%add3A_366, %dma_wait3A_373, %dma_wait3A_374] : memref<4096x200x64xf32, #tpu.memory_space<hbm>> -> memref<1x200x64xf32, #tpu.memory_space<hbm>>
        %dma_wait3A_376 = tpu.memref_squeeze %dma_wait3A_375 : memref<1x200x64xf32, #tpu.memory_space<hbm>> -> memref<200x64xf32, #tpu.memory_space<hbm>>
        %dma_wait3A_377 = tpu.memref_slice %arg9[%dma_wait3A_368] : memref<4x!tpu.dma_semaphore, #tpu.memory_space<semaphore_mem>> -> memref<1x!tpu.dma_semaphore, #tpu.memory_space<semaphore_mem>>
        %dma_wait3A_378 = tpu.memref_squeeze %dma_wait3A_377 : memref<1x!tpu.dma_semaphore, #tpu.memory_space<semaphore_mem>> -> memref<!tpu.dma_semaphore, #tpu.memory_space<semaphore_mem>>
        %dma_wait3A_379 = arith.constant 0 : i32
        %dma_wait3A_380 = arith.constant 0 : i32
        %dma_wait3A_381 = tpu.memref_slice %arg4[%add3A_366, %dma_wait3A_379, %dma_wait3A_380] : memref<4096x200x64xf32, #tpu.memory_space<hbm>> -> memref<1x200x64xf32, #tpu.memory_space<hbm>>
        %dma_wait3A_382 = tpu.memref_squeeze %dma_wait3A_381 : memref<1x200x64xf32, #tpu.memory_space<hbm>> -> memref<200x64xf32, #tpu.memory_space<hbm>>
        %dma_wait3A_383 = arith.constant 0 : i32
        %dma_wait3A_384 = arith.constant 0 : i32
        %dma_wait3A_385 = tpu.memref_slice %arg7[%dma_wait3A_367, %dma_wait3A_383, %dma_wait3A_384] : memref<4x200x64xf32, #tpu.memory_space<vmem>> -> memref<1x200x64xf32, #tpu.memory_space<vmem>>
        %dma_wait3A_386 = tpu.memref_squeeze %dma_wait3A_385 : memref<1x200x64xf32, #tpu.memory_space<vmem>> -> memref<200x64xf32, #tpu.memory_space<vmem>>
        tpu.wait_dma2 semaphore(%dma_wait3A_378 : memref<!tpu.dma_semaphore, #tpu.memory_space<semaphore_mem>>) src(%dma_wait3A_386 : memref<200x64xf32, #tpu.memory_space<vmem>>) dst(%dma_wait3A_382 : memref<200x64xf32, #tpu.memory_space<hbm>>)
      } else {
      }
      %scan3A_223 = arith.constant 0 : i32
      %scan3A_224 = arith.constant 0 : i32
      %scan3A_225 = arith.constant 200 : i32
      %scan3A_226 = arith.addi %scan3A_224, %scan3A_225 : i32
      %scan3A_227 = arith.constant 1 : i32
      scf.for %scan3A_365 = %scan3A_224 to %scan3A_226 step %scan3A_227  : i32 {
        %get3A = arith.constant 1 : i32
        %get3A_366 = arith.index_cast %get3A : i32 to index
        %get3A_367 = arith.index_cast %scan3A_365 : i32 to index
        %get3A_368 = arith.constant 0 : index
        %get3A_369 = tpu.vector_load %arg6[%get3A_366, %get3A_367, %get3A_368] {strides = array<i32>} : memref<4x200x64xf32, #tpu.memory_space<vmem>>, vector<1x1x16xf32>,
        %get3A_370 = vector.shape_cast %get3A_369 : vector<1x1x16xf32> to vector<16xf32>
        %mul3A_371 = arith.constant 8.000000e+00 : f32
        %mul3A_372 = vector.broadcast %mul3A_371 : f32 to vector<16xf32>
        %mul3A_373 = arith.mulf %get3A_370, %mul3A_372 : vector<16xf32>
        %swap3A = arith.constant 1 : i32
        %swap3A_374 = arith.index_cast %swap3A : i32 to index
        %swap3A_375 = arith.index_cast %scan3A_365 : i32 to index
        %swap3A_376 = arith.constant 0 : index
        %swap3A_377 = tpu.vector_load %arg7[%swap3A_374, %swap3A_375, %swap3A_376] {strides = array<i32>} : memref<4x200x64xf32, #tpu.memory_space<vmem>>, vector<1x1x16xf32>,
        %swap3A_378 = vector.shape_cast %swap3A_377 : vector<1x1x16xf32> to vector<16xf32>
        %swap3A_379 = vector.shape_cast %mul3A_373 : vector<16xf32> to vector<1x1x16xf32>
        tpu.vector_store %arg7[%swap3A_374, %swap3A_375, %swap3A_376], %swap3A_379 {strides = array<i32>} : memref<4x200x64xf32, #tpu.memory_space<vmem>>, vector<1x1x16xf32>,
        %get3A_380 = arith.constant 1 : i32
        %get3A_381 = arith.index_cast %get3A_380 : i32 to index
        %get3A_382 = arith.index_cast %scan3A_365 : i32 to index
        %get3A_383 = arith.constant 16 : index
        %get3A_384 = tpu.vector_load %arg6[%get3A_381, %get3A_382, %get3A_383] {strides = array<i32>} : memref<4x200x64xf32, #tpu.memory_space<vmem>>, vector<1x1x16xf32>,
        %get3A_385 = vector.shape_cast %get3A_384 : vector<1x1x16xf32> to vector<16xf32>
        %mul3A_386 = arith.constant 8.000000e+00 : f32
        %mul3A_387 = vector.broadcast %mul3A_386 : f32 to vector<16xf32>
        %mul3A_388 = arith.mulf %get3A_385, %mul3A_387 : vector<16xf32>
        %swap3A_389 = arith.constant 1 : i32
        %swap3A_390 = arith.index_cast %swap3A_389 : i32 to index
        %swap3A_391 = arith.index_cast %scan3A_365 : i32 to index
        %swap3A_392 = arith.constant 16 : index
        %swap3A_393 = tpu.vector_load %arg7[%swap3A_390, %swap3A_391, %swap3A_392] {strides = array<i32>} : memref<4x200x64xf32, #tpu.memory_space<vmem>>, vector<1x1x16xf32>,
        %swap3A_394 = vector.shape_cast %swap3A_393 : vector<1x1x16xf32> to vector<16xf32>
        %swap3A_395 = vector.shape_cast %mul3A_388 : vector<16xf32> to vector<1x1x16xf32>
        tpu.vector_store %arg7[%swap3A_390, %swap3A_391, %swap3A_392], %swap3A_395 {strides = array<i32>} : memref<4x200x64xf32, #tpu.memory_space<vmem>>, vector<1x1x16xf32>,
        %get3A_396 = arith.constant 1 : i32
        %get3A_397 = arith.index_cast %get3A_396 : i32 to index
        %get3A_398 = arith.index_cast %scan3A_365 : i32 to index
        %get3A_399 = arith.constant 32 : index
        %get3A_400 = tpu.vector_load %arg6[%get3A_397, %get3A_398, %get3A_399] {strides = array<i32>} : memref<4x200x64xf32, #tpu.memory_space<vmem>>, vector<1x1x16xf32>,
        %get3A_401 = vector.shape_cast %get3A_400 : vector<1x1x16xf32> to vector<16xf32>
        %mul3A_402 = arith.constant 8.000000e+00 : f32
        %mul3A_403 = vector.broadcast %mul3A_402 : f32 to vector<16xf32>
        %mul3A_404 = arith.mulf %get3A_401, %mul3A_403 : vector<16xf32>
        %swap3A_405 = arith.constant 1 : i32
        %swap3A_406 = arith.index_cast %swap3A_405 : i32 to index
        %swap3A_407 = arith.index_cast %scan3A_365 : i32 to index
        %swap3A_408 = arith.constant 32 : index
        %swap3A_409 = tpu.vector_load %arg7[%swap3A_406, %swap3A_407, %swap3A_408] {strides = array<i32>} : memref<4x200x64xf32, #tpu.memory_space<vmem>>, vector<1x1x16xf32>,
        %swap3A_410 = vector.shape_cast %swap3A_409 : vector<1x1x16xf32> to vector<16xf32>
        %swap3A_411 = vector.shape_cast %mul3A_404 : vector<16xf32> to vector<1x1x16xf32>
        tpu.vector_store %arg7[%swap3A_406, %swap3A_407, %swap3A_408], %swap3A_411 {strides = array<i32>} : memref<4x200x64xf32, #tpu.memory_space<vmem>>, vector<1x1x16xf32>,
        %get3A_412 = arith.constant 1 : i32
        %get3A_413 = arith.index_cast %get3A_412 : i32 to index
        %get3A_414 = arith.index_cast %scan3A_365 : i32 to index
        %get3A_415 = arith.constant 48 : index
        %get3A_416 = tpu.vector_load %arg6[%get3A_413, %get3A_414, %get3A_415] {strides = array<i32>} : memref<4x200x64xf32, #tpu.memory_space<vmem>>, vector<1x1x16xf32>,
        %get3A_417 = vector.shape_cast %get3A_416 : vector<1x1x16xf32> to vector<16xf32>
        %mul3A_418 = arith.constant 8.000000e+00 : f32
        %mul3A_419 = vector.broadcast %mul3A_418 : f32 to vector<16xf32>
        %mul3A_420 = arith.mulf %get3A_417, %mul3A_419 : vector<16xf32>
        %swap3A_421 = arith.constant 1 : i32
        %swap3A_422 = arith.index_cast %swap3A_421 : i32 to index
        %swap3A_423 = arith.index_cast %scan3A_365 : i32 to index
        %swap3A_424 = arith.constant 48 : index
        %swap3A_425 = tpu.vector_load %arg7[%swap3A_422, %swap3A_423, %swap3A_424] {strides = array<i32>} : memref<4x200x64xf32, #tpu.memory_space<vmem>>, vector<1x1x16xf32>,
        %swap3A_426 = vector.shape_cast %swap3A_425 : vector<1x1x16xf32> to vector<16xf32>
        %swap3A_427 = vector.shape_cast %mul3A_420 : vector<16xf32> to vector<1x1x16xf32>
        tpu.vector_store %arg7[%swap3A_422, %swap3A_423, %swap3A_424], %swap3A_427 {strides = array<i32>} : memref<4x200x64xf32, #tpu.memory_space<vmem>>, vector<1x1x16xf32>,
      }
      %scan3A_228 = arith.constant 200 : i32
      %add3A_229 = arith.addi %mul3A_2, %add3A_203 : i32
      %dma_start3A_230 = arith.constant 1 : i32
      %dma_start3A_231 = arith.constant 1 : i32
      %dma_start3A_232 = arith.constant 0 : i32
      %dma_start3A_233 = arith.constant 0 : i32
      %dma_start3A_234 = tpu.memref_slice %arg7[%dma_start3A_230, %dma_start3A_232, %dma_start3A_233] : memref<4x200x64xf32, #tpu.memory_space<vmem>> -> memref<1x200x64xf32, #tpu.memory_space<vmem>>
      %dma_start3A_235 = tpu.memref_squeeze %dma_start3A_234 : memref<1x200x64xf32, #tpu.memory_space<vmem>> -> memref<200x64xf32, #tpu.memory_space<vmem>>
      %dma_start3A_236 = arith.constant 0 : i32
      %dma_start3A_237 = arith.constant 0 : i32
      %dma_start3A_238 = tpu.memref_slice %arg4[%add3A_229, %dma_start3A_236, %dma_start3A_237] : memref<4096x200x64xf32, #tpu.memory_space<hbm>> -> memref<1x200x64xf32, #tpu.memory_space<hbm>>
      %dma_start3A_239 = tpu.memref_squeeze %dma_start3A_238 : memref<1x200x64xf32, #tpu.memory_space<hbm>> -> memref<200x64xf32, #tpu.memory_space<hbm>>
      %dma_start3A_240 = tpu.memref_slice %arg9[%dma_start3A_231] : memref<4x!tpu.dma_semaphore, #tpu.memory_space<semaphore_mem>> -> memref<1x!tpu.dma_semaphore, #tpu.memory_space<semaphore_mem>>
      %dma_start3A_241 = tpu.memref_squeeze %dma_start3A_240 : memref<1x!tpu.dma_semaphore, #tpu.memory_space<semaphore_mem>> -> memref<!tpu.dma_semaphore, #tpu.memory_space<semaphore_mem>>
      %dma_start3A_242 = arith.constant 0 : i32
      %dma_start3A_243 = arith.constant 0 : i32
      %dma_start3A_244 = tpu.memref_slice %arg4[%add3A_229, %dma_start3A_242, %dma_start3A_243] : memref<4096x200x64xf32, #tpu.memory_space<hbm>> -> memref<1x200x64xf32, #tpu.memory_space<hbm>>
      %dma_start3A_245 = tpu.memref_squeeze %dma_start3A_244 : memref<1x200x64xf32, #tpu.memory_space<hbm>> -> memref<200x64xf32, #tpu.memory_space<hbm>>
      %dma_start3A_246 = arith.constant 0 : i32
      %dma_start3A_247 = arith.constant 0 : i32
      %dma_start3A_248 = tpu.memref_slice %arg7[%dma_start3A_230, %dma_start3A_246, %dma_start3A_247] : memref<4x200x64xf32, #tpu.memory_space<vmem>> -> memref<1x200x64xf32, #tpu.memory_space<vmem>>
      %dma_start3A_249 = tpu.memref_squeeze %dma_start3A_248 : memref<1x200x64xf32, #tpu.memory_space<vmem>> -> memref<200x64xf32, #tpu.memory_space<vmem>>
      tpu.enqueue_dma source(%dma_start3A_249 : memref<200x64xf32, #tpu.memory_space<vmem>>) target(%dma_start3A_245 : memref<200x64xf32, #tpu.memory_space<hbm>>) target_semaphore(%dma_start3A_241 : memref<!tpu.dma_semaphore, #tpu.memory_space<semaphore_mem>>)
      %lt3A_250 = arith.constant 31 : i32
      %lt3A_251 = arith.cmpi slt, %scan3A_148, %lt3A_250 : i32
      %convert_element_type3A_252 = arith.extui %lt3A_251 : i1 to i32
      %cond3A_253 = arith.constant 0 : i32
      %cond3A_254 = arith.cmpi ne, %convert_element_type3A_252, %cond3A_253 : i32
      scf.if %cond3A_254 {
        %add3A_365 = arith.constant 4 : i32
        %add3A_366 = arith.addi %add3A_203, %add3A_365 : i32
        %mul3A_367 = arith.constant 200 : i32
        %mul3A_368 = arith.muli %add3A_366, %mul3A_367 : i32
        %dma_start3A_369 = arith.constant 1 : i32
        %dma_start3A_370 = arith.constant 1 : i32
        %dma_start3A_371 = arith.constant 0 : i32
        %dma_start3A_372 = arith.constant 0 : i32
        %dma_start3A_373 = tpu.memref_slice %arg6[%dma_start3A_369, %dma_start3A_371, %dma_start3A_372] : memref<4x200x64xf32, #tpu.memory_space<vmem>> -> memref<1x200x64xf32, #tpu.memory_space<vmem>>
        %dma_start3A_374 = tpu.memref_squeeze %dma_start3A_373 : memref<1x200x64xf32, #tpu.memory_space<vmem>> -> memref<200x64xf32, #tpu.memory_space<vmem>>
        %dma_start3A_375 = tpu.memref_slice %arg5[%mul3A_368] : memref<25600xi32, #tpu.memory_space<vmem>> -> memref<200xi32, #tpu.memory_space<vmem>>
        %dma_start3A_376 = arith.constant 0 : i32
        %dma_start3A_377 = arith.constant 0 : i32
        %dma_start3A_378 = tpu.memref_slice %arg3[%dma_start3A_376, %dma_start3A_377] : memref<1000000x64xf32, #tpu.memory_space<hbm>> -> memref<1000000x64xf32, #tpu.memory_space<hbm>>
        %dma_start3A_379 = tpu.memref_slice %arg8[%dma_start3A_370] : memref<4x!tpu.dma_semaphore, #tpu.memory_space<semaphore_mem>> -> memref<1x!tpu.dma_semaphore, #tpu.memory_space<semaphore_mem>>
        %dma_start3A_380 = tpu.memref_squeeze %dma_start3A_379 : memref<1x!tpu.dma_semaphore, #tpu.memory_space<semaphore_mem>> -> memref<!tpu.dma_semaphore, #tpu.memory_space<semaphore_mem>>
        tpu.enqueue_indirect_dma source(%dma_start3A_378 : memref<1000000x64xf32, #tpu.memory_space<hbm>>) target(%dma_start3A_374 : memref<200x64xf32, #tpu.memory_space<vmem>>) offsets(%dma_start3A_375 : memref<200xi32, #tpu.memory_space<vmem>>) semaphore(%dma_start3A_380 : memref<!tpu.dma_semaphore, #tpu.memory_space<semaphore_mem>>)
      } else {
      }
      %mul3A_255 = arith.constant 4 : i32
      %mul3A_256 = arith.muli %scan3A_148, %mul3A_255 : i32
      %add3A_257 = arith.constant 2 : i32
      %add3A_258 = arith.addi %mul3A_256, %add3A_257 : i32
      %mul3A_259 = arith.constant 200 : i32
      %mul3A_260 = arith.muli %add3A_258, %mul3A_259 : i32
      %dma_wait3A_261 = arith.constant 2 : i32
      %dma_wait3A_262 = arith.constant 2 : i32
      %dma_wait3A_263 = arith.constant 0 : i32
      %dma_wait3A_264 = arith.constant 0 : i32
      %dma_wait3A_265 = tpu.memref_slice %arg6[%dma_wait3A_261, %dma_wait3A_263, %dma_wait3A_264] : memref<4x200x64xf32, #tpu.memory_space<vmem>> -> memref<1x200x64xf32, #tpu.memory_space<vmem>>
      %dma_wait3A_266 = tpu.memref_squeeze %dma_wait3A_265 : memref<1x200x64xf32, #tpu.memory_space<vmem>> -> memref<200x64xf32, #tpu.memory_space<vmem>>
      %dma_wait3A_267 = tpu.memref_slice %arg5[%mul3A_260] : memref<25600xi32, #tpu.memory_space<vmem>> -> memref<200xi32, #tpu.memory_space<vmem>>
      %dma_wait3A_268 = arith.constant 0 : i32
      %dma_wait3A_269 = arith.constant 0 : i32
      %dma_wait3A_270 = tpu.memref_slice %arg3[%dma_wait3A_268, %dma_wait3A_269] : memref<1000000x64xf32, #tpu.memory_space<hbm>> -> memref<1000000x64xf32, #tpu.memory_space<hbm>>
      %dma_wait3A_271 = tpu.memref_slice %arg8[%dma_wait3A_262] : memref<4x!tpu.dma_semaphore, #tpu.memory_space<semaphore_mem>> -> memref<1x!tpu.dma_semaphore, #tpu.memory_space<semaphore_mem>>
      %dma_wait3A_272 = tpu.memref_squeeze %dma_wait3A_271 : memref<1x!tpu.dma_semaphore, #tpu.memory_space<semaphore_mem>> -> memref<!tpu.dma_semaphore, #tpu.memory_space<semaphore_mem>>
      tpu.wait_indirect_dma semaphore(%dma_wait3A_272 : memref<!tpu.dma_semaphore, #tpu.memory_space<semaphore_mem>>) src(%dma_wait3A_270 : memref<1000000x64xf32, #tpu.memory_space<hbm>>) dst(%dma_wait3A_266 : memref<200x64xf32, #tpu.memory_space<vmem>>)
      %gt3A_273 = arith.constant 0 : i32
      %gt3A_274 = arith.cmpi sgt, %scan3A_148, %gt3A_273 : i32
      %convert_element_type3A_275 = arith.extui %gt3A_274 : i1 to i32
      %cond3A_276 = arith.constant 0 : i32
      %cond3A_277 = arith.cmpi ne, %convert_element_type3A_275, %cond3A_276 : i32
      scf.if %cond3A_277 {
        %sub3A = arith.constant 4 : i32
        %sub3A_365 = arith.subi %add3A_258, %sub3A : i32
        %add3A_366 = arith.addi %mul3A_2, %sub3A_365 : i32
        %dma_wait3A_367 = arith.constant 2 : i32
        %dma_wait3A_368 = arith.constant 2 : i32
        %dma_wait3A_369 = arith.constant 0 : i32
        %dma_wait3A_370 = arith.constant 0 : i32
        %dma_wait3A_371 = tpu.memref_slice %arg7[%dma_wait3A_367, %dma_wait3A_369, %dma_wait3A_370] : memref<4x200x64xf32, #tpu.memory_space<vmem>> -> memref<1x200x64xf32, #tpu.memory_space<vmem>>
        %dma_wait3A_372 = tpu.memref_squeeze %dma_wait3A_371 : memref<1x200x64xf32, #tpu.memory_space<vmem>> -> memref<200x64xf32, #tpu.memory_space<vmem>>
        %dma_wait3A_373 = arith.constant 0 : i32
        %dma_wait3A_374 = arith.constant 0 : i32
        %dma_wait3A_375 = tpu.memref_slice %arg4[%add3A_366, %dma_wait3A_373, %dma_wait3A_374] : memref<4096x200x64xf32, #tpu.memory_space<hbm>> -> memref<1x200x64xf32, #tpu.memory_space<hbm>>
        %dma_wait3A_376 = tpu.memref_squeeze %dma_wait3A_375 : memref<1x200x64xf32, #tpu.memory_space<hbm>> -> memref<200x64xf32, #tpu.memory_space<hbm>>
        %dma_wait3A_377 = tpu.memref_slice %arg9[%dma_wait3A_368] : memref<4x!tpu.dma_semaphore, #tpu.memory_space<semaphore_mem>> -> memref<1x!tpu.dma_semaphore, #tpu.memory_space<semaphore_mem>>
        %dma_wait3A_378 = tpu.memref_squeeze %dma_wait3A_377 : memref<1x!tpu.dma_semaphore, #tpu.memory_space<semaphore_mem>> -> memref<!tpu.dma_semaphore, #tpu.memory_space<semaphore_mem>>
        %dma_wait3A_379 = arith.constant 0 : i32
        %dma_wait3A_380 = arith.constant 0 : i32
        %dma_wait3A_381 = tpu.memref_slice %arg4[%add3A_366, %dma_wait3A_379, %dma_wait3A_380] : memref<4096x200x64xf32, #tpu.memory_space<hbm>> -> memref<1x200x64xf32, #tpu.memory_space<hbm>>
        %dma_wait3A_382 = tpu.memref_squeeze %dma_wait3A_381 : memref<1x200x64xf32, #tpu.memory_space<hbm>> -> memref<200x64xf32, #tpu.memory_space<hbm>>
        %dma_wait3A_383 = arith.constant 0 : i32
        %dma_wait3A_384 = arith.constant 0 : i32
        %dma_wait3A_385 = tpu.memref_slice %arg7[%dma_wait3A_367, %dma_wait3A_383, %dma_wait3A_384] : memref<4x200x64xf32, #tpu.memory_space<vmem>> -> memref<1x200x64xf32, #tpu.memory_space<vmem>>
        %dma_wait3A_386 = tpu.memref_squeeze %dma_wait3A_385 : memref<1x200x64xf32, #tpu.memory_space<vmem>> -> memref<200x64xf32, #tpu.memory_space<vmem>>
        tpu.wait_dma2 semaphore(%dma_wait3A_378 : memref<!tpu.dma_semaphore, #tpu.memory_space<semaphore_mem>>) src(%dma_wait3A_386 : memref<200x64xf32, #tpu.memory_space<vmem>>) dst(%dma_wait3A_382 : memref<200x64xf32, #tpu.memory_space<hbm>>)
      } else {
      }
      %scan3A_278 = arith.constant 0 : i32
      %scan3A_279 = arith.constant 0 : i32
      %scan3A_280 = arith.constant 200 : i32
      %scan3A_281 = arith.addi %scan3A_279, %scan3A_280 : i32
      %scan3A_282 = arith.constant 1 : i32
      scf.for %scan3A_365 = %scan3A_279 to %scan3A_281 step %scan3A_282  : i32 {
        %get3A = arith.constant 2 : i32
        %get3A_366 = arith.index_cast %get3A : i32 to index
        %get3A_367 = arith.index_cast %scan3A_365 : i32 to index
        %get3A_368 = arith.constant 0 : index
        %get3A_369 = tpu.vector_load %arg6[%get3A_366, %get3A_367, %get3A_368] {strides = array<i32>} : memref<4x200x64xf32, #tpu.memory_space<vmem>>, vector<1x1x16xf32>,
        %get3A_370 = vector.shape_cast %get3A_369 : vector<1x1x16xf32> to vector<16xf32>
        %mul3A_371 = arith.constant 8.000000e+00 : f32
        %mul3A_372 = vector.broadcast %mul3A_371 : f32 to vector<16xf32>
        %mul3A_373 = arith.mulf %get3A_370, %mul3A_372 : vector<16xf32>
        %swap3A = arith.constant 2 : i32
        %swap3A_374 = arith.index_cast %swap3A : i32 to index
        %swap3A_375 = arith.index_cast %scan3A_365 : i32 to index
        %swap3A_376 = arith.constant 0 : index
        %swap3A_377 = tpu.vector_load %arg7[%swap3A_374, %swap3A_375, %swap3A_376] {strides = array<i32>} : memref<4x200x64xf32, #tpu.memory_space<vmem>>, vector<1x1x16xf32>,
        %swap3A_378 = vector.shape_cast %swap3A_377 : vector<1x1x16xf32> to vector<16xf32>
        %swap3A_379 = vector.shape_cast %mul3A_373 : vector<16xf32> to vector<1x1x16xf32>
        tpu.vector_store %arg7[%swap3A_374, %swap3A_375, %swap3A_376], %swap3A_379 {strides = array<i32>} : memref<4x200x64xf32, #tpu.memory_space<vmem>>, vector<1x1x16xf32>,
        %get3A_380 = arith.constant 2 : i32
        %get3A_381 = arith.index_cast %get3A_380 : i32 to index
        %get3A_382 = arith.index_cast %scan3A_365 : i32 to index
        %get3A_383 = arith.constant 16 : index
        %get3A_384 = tpu.vector_load %arg6[%get3A_381, %get3A_382, %get3A_383] {strides = array<i32>} : memref<4x200x64xf32, #tpu.memory_space<vmem>>, vector<1x1x16xf32>,
        %get3A_385 = vector.shape_cast %get3A_384 : vector<1x1x16xf32> to vector<16xf32>
        %mul3A_386 = arith.constant 8.000000e+00 : f32
        %mul3A_387 = vector.broadcast %mul3A_386 : f32 to vector<16xf32>
        %mul3A_388 = arith.mulf %get3A_385, %mul3A_387 : vector<16xf32>
        %swap3A_389 = arith.constant 2 : i32
        %swap3A_390 = arith.index_cast %swap3A_389 : i32 to index
        %swap3A_391 = arith.index_cast %scan3A_365 : i32 to index
        %swap3A_392 = arith.constant 16 : index
        %swap3A_393 = tpu.vector_load %arg7[%swap3A_390, %swap3A_391, %swap3A_392] {strides = array<i32>} : memref<4x200x64xf32, #tpu.memory_space<vmem>>, vector<1x1x16xf32>,
        %swap3A_394 = vector.shape_cast %swap3A_393 : vector<1x1x16xf32> to vector<16xf32>
        %swap3A_395 = vector.shape_cast %mul3A_388 : vector<16xf32> to vector<1x1x16xf32>
        tpu.vector_store %arg7[%swap3A_390, %swap3A_391, %swap3A_392], %swap3A_395 {strides = array<i32>} : memref<4x200x64xf32, #tpu.memory_space<vmem>>, vector<1x1x16xf32>,
        %get3A_396 = arith.constant 2 : i32
        %get3A_397 = arith.index_cast %get3A_396 : i32 to index
        %get3A_398 = arith.index_cast %scan3A_365 : i32 to index
        %get3A_399 = arith.constant 32 : index
        %get3A_400 = tpu.vector_load %arg6[%get3A_397, %get3A_398, %get3A_399] {strides = array<i32>} : memref<4x200x64xf32, #tpu.memory_space<vmem>>, vector<1x1x16xf32>,
        %get3A_401 = vector.shape_cast %get3A_400 : vector<1x1x16xf32> to vector<16xf32>
        %mul3A_402 = arith.constant 8.000000e+00 : f32
        %mul3A_403 = vector.broadcast %mul3A_402 : f32 to vector<16xf32>
        %mul3A_404 = arith.mulf %get3A_401, %mul3A_403 : vector<16xf32>
        %swap3A_405 = arith.constant 2 : i32
        %swap3A_406 = arith.index_cast %swap3A_405 : i32 to index
        %swap3A_407 = arith.index_cast %scan3A_365 : i32 to index
        %swap3A_408 = arith.constant 32 : index
        %swap3A_409 = tpu.vector_load %arg7[%swap3A_406, %swap3A_407, %swap3A_408] {strides = array<i32>} : memref<4x200x64xf32, #tpu.memory_space<vmem>>, vector<1x1x16xf32>,
        %swap3A_410 = vector.shape_cast %swap3A_409 : vector<1x1x16xf32> to vector<16xf32>
        %swap3A_411 = vector.shape_cast %mul3A_404 : vector<16xf32> to vector<1x1x16xf32>
        tpu.vector_store %arg7[%swap3A_406, %swap3A_407, %swap3A_408], %swap3A_411 {strides = array<i32>} : memref<4x200x64xf32, #tpu.memory_space<vmem>>, vector<1x1x16xf32>,
        %get3A_412 = arith.constant 2 : i32
        %get3A_413 = arith.index_cast %get3A_412 : i32 to index
        %get3A_414 = arith.index_cast %scan3A_365 : i32 to index
        %get3A_415 = arith.constant 48 : index
        %get3A_416 = tpu.vector_load %arg6[%get3A_413, %get3A_414, %get3A_415] {strides = array<i32>} : memref<4x200x64xf32, #tpu.memory_space<vmem>>, vector<1x1x16xf32>,
        %get3A_417 = vector.shape_cast %get3A_416 : vector<1x1x16xf32> to vector<16xf32>
        %mul3A_418 = arith.constant 8.000000e+00 : f32
        %mul3A_419 = vector.broadcast %mul3A_418 : f32 to vector<16xf32>
        %mul3A_420 = arith.mulf %get3A_417, %mul3A_419 : vector<16xf32>
        %swap3A_421 = arith.constant 2 : i32
        %swap3A_422 = arith.index_cast %swap3A_421 : i32 to index
        %swap3A_423 = arith.index_cast %scan3A_365 : i32 to index
        %swap3A_424 = arith.constant 48 : index
        %swap3A_425 = tpu.vector_load %arg7[%swap3A_422, %swap3A_423, %swap3A_424] {strides = array<i32>} : memref<4x200x64xf32, #tpu.memory_space<vmem>>, vector<1x1x16xf32>,
        %swap3A_426 = vector.shape_cast %swap3A_425 : vector<1x1x16xf32> to vector<16xf32>
        %swap3A_427 = vector.shape_cast %mul3A_420 : vector<16xf32> to vector<1x1x16xf32>
        tpu.vector_store %arg7[%swap3A_422, %swap3A_423, %swap3A_424], %swap3A_427 {strides = array<i32>} : memref<4x200x64xf32, #tpu.memory_space<vmem>>, vector<1x1x16xf32>,
      }
      %scan3A_283 = arith.constant 200 : i32
      %add3A_284 = arith.addi %mul3A_2, %add3A_258 : i32
      %dma_start3A_285 = arith.constant 2 : i32
      %dma_start3A_286 = arith.constant 2 : i32
      %dma_start3A_287 = arith.constant 0 : i32
      %dma_start3A_288 = arith.constant 0 : i32
      %dma_start3A_289 = tpu.memref_slice %arg7[%dma_start3A_285, %dma_start3A_287, %dma_start3A_288] : memref<4x200x64xf32, #tpu.memory_space<vmem>> -> memref<1x200x64xf32, #tpu.memory_space<vmem>>
      %dma_start3A_290 = tpu.memref_squeeze %dma_start3A_289 : memref<1x200x64xf32, #tpu.memory_space<vmem>> -> memref<200x64xf32, #tpu.memory_space<vmem>>
      %dma_start3A_291 = arith.constant 0 : i32
      %dma_start3A_292 = arith.constant 0 : i32
      %dma_start3A_293 = tpu.memref_slice %arg4[%add3A_284, %dma_start3A_291, %dma_start3A_292] : memref<4096x200x64xf32, #tpu.memory_space<hbm>> -> memref<1x200x64xf32, #tpu.memory_space<hbm>>
      %dma_start3A_294 = tpu.memref_squeeze %dma_start3A_293 : memref<1x200x64xf32, #tpu.memory_space<hbm>> -> memref<200x64xf32, #tpu.memory_space<hbm>>
      %dma_start3A_295 = tpu.memref_slice %arg9[%dma_start3A_286] : memref<4x!tpu.dma_semaphore, #tpu.memory_space<semaphore_mem>> -> memref<1x!tpu.dma_semaphore, #tpu.memory_space<semaphore_mem>>
      %dma_start3A_296 = tpu.memref_squeeze %dma_start3A_295 : memref<1x!tpu.dma_semaphore, #tpu.memory_space<semaphore_mem>> -> memref<!tpu.dma_semaphore, #tpu.memory_space<semaphore_mem>>
      %dma_start3A_297 = arith.constant 0 : i32
      %dma_start3A_298 = arith.constant 0 : i32
      %dma_start3A_299 = tpu.memref_slice %arg4[%add3A_284, %dma_start3A_297, %dma_start3A_298] : memref<4096x200x64xf32, #tpu.memory_space<hbm>> -> memref<1x200x64xf32, #tpu.memory_space<hbm>>
      %dma_start3A_300 = tpu.memref_squeeze %dma_start3A_299 : memref<1x200x64xf32, #tpu.memory_space<hbm>> -> memref<200x64xf32, #tpu.memory_space<hbm>>
      %dma_start3A_301 = arith.constant 0 : i32
      %dma_start3A_302 = arith.constant 0 : i32
      %dma_start3A_303 = tpu.memref_slice %arg7[%dma_start3A_285, %dma_start3A_301, %dma_start3A_302] : memref<4x200x64xf32, #tpu.memory_space<vmem>> -> memref<1x200x64xf32, #tpu.memory_space<vmem>>
      %dma_start3A_304 = tpu.memref_squeeze %dma_start3A_303 : memref<1x200x64xf32, #tpu.memory_space<vmem>> -> memref<200x64xf32, #tpu.memory_space<vmem>>
      tpu.enqueue_dma source(%dma_start3A_304 : memref<200x64xf32, #tpu.memory_space<vmem>>) target(%dma_start3A_300 : memref<200x64xf32, #tpu.memory_space<hbm>>) target_semaphore(%dma_start3A_296 : memref<!tpu.dma_semaphore, #tpu.memory_space<semaphore_mem>>)
      %lt3A_305 = arith.constant 31 : i32
      %lt3A_306 = arith.cmpi slt, %scan3A_148, %lt3A_305 : i32
      %convert_element_type3A_307 = arith.extui %lt3A_306 : i1 to i32
      %cond3A_308 = arith.constant 0 : i32
      %cond3A_309 = arith.cmpi ne, %convert_element_type3A_307, %cond3A_308 : i32
      scf.if %cond3A_309 {
        %add3A_365 = arith.constant 4 : i32
        %add3A_366 = arith.addi %add3A_258, %add3A_365 : i32
        %mul3A_367 = arith.constant 200 : i32
        %mul3A_368 = arith.muli %add3A_366, %mul3A_367 : i32
        %dma_start3A_369 = arith.constant 2 : i32
        %dma_start3A_370 = arith.constant 2 : i32
        %dma_start3A_371 = arith.constant 0 : i32
        %dma_start3A_372 = arith.constant 0 : i32
        %dma_start3A_373 = tpu.memref_slice %arg6[%dma_start3A_369, %dma_start3A_371, %dma_start3A_372] : memref<4x200x64xf32, #tpu.memory_space<vmem>> -> memref<1x200x64xf32, #tpu.memory_space<vmem>>
        %dma_start3A_374 = tpu.memref_squeeze %dma_start3A_373 : memref<1x200x64xf32, #tpu.memory_space<vmem>> -> memref<200x64xf32, #tpu.memory_space<vmem>>
        %dma_start3A_375 = tpu.memref_slice %arg5[%mul3A_368] : memref<25600xi32, #tpu.memory_space<vmem>> -> memref<200xi32, #tpu.memory_space<vmem>>
        %dma_start3A_376 = arith.constant 0 : i32
        %dma_start3A_377 = arith.constant 0 : i32
        %dma_start3A_378 = tpu.memref_slice %arg3[%dma_start3A_376, %dma_start3A_377] : memref<1000000x64xf32, #tpu.memory_space<hbm>> -> memref<1000000x64xf32, #tpu.memory_space<hbm>>
        %dma_start3A_379 = tpu.memref_slice %arg8[%dma_start3A_370] : memref<4x!tpu.dma_semaphore, #tpu.memory_space<semaphore_mem>> -> memref<1x!tpu.dma_semaphore, #tpu.memory_space<semaphore_mem>>
        %dma_start3A_380 = tpu.memref_squeeze %dma_start3A_379 : memref<1x!tpu.dma_semaphore, #tpu.memory_space<semaphore_mem>> -> memref<!tpu.dma_semaphore, #tpu.memory_space<semaphore_mem>>
        tpu.enqueue_indirect_dma source(%dma_start3A_378 : memref<1000000x64xf32, #tpu.memory_space<hbm>>) target(%dma_start3A_374 : memref<200x64xf32, #tpu.memory_space<vmem>>) offsets(%dma_start3A_375 : memref<200xi32, #tpu.memory_space<vmem>>) semaphore(%dma_start3A_380 : memref<!tpu.dma_semaphore, #tpu.memory_space<semaphore_mem>>)
      } else {
      }
      %mul3A_310 = arith.constant 4 : i32
      %mul3A_311 = arith.muli %scan3A_148, %mul3A_310 : i32
      %add3A_312 = arith.constant 3 : i32
      %add3A_313 = arith.addi %mul3A_311, %add3A_312 : i32
      %mul3A_314 = arith.constant 200 : i32
      %mul3A_315 = arith.muli %add3A_313, %mul3A_314 : i32
      %dma_wait3A_316 = arith.constant 3 : i32
      %dma_wait3A_317 = arith.constant 3 : i32
      %dma_wait3A_318 = arith.constant 0 : i32
      %dma_wait3A_319 = arith.constant 0 : i32
      %dma_wait3A_320 = tpu.memref_slice %arg6[%dma_wait3A_316, %dma_wait3A_318, %dma_wait3A_319] : memref<4x200x64xf32, #tpu.memory_space<vmem>> -> memref<1x200x64xf32, #tpu.memory_space<vmem>>
      %dma_wait3A_321 = tpu.memref_squeeze %dma_wait3A_320 : memref<1x200x64xf32, #tpu.memory_space<vmem>> -> memref<200x64xf32, #tpu.memory_space<vmem>>
      %dma_wait3A_322 = tpu.memref_slice %arg5[%mul3A_315] : memref<25600xi32, #tpu.memory_space<vmem>> -> memref<200xi32, #tpu.memory_space<vmem>>
      %dma_wait3A_323 = arith.constant 0 : i32
      %dma_wait3A_324 = arith.constant 0 : i32
      %dma_wait3A_325 = tpu.memref_slice %arg3[%dma_wait3A_323, %dma_wait3A_324] : memref<1000000x64xf32, #tpu.memory_space<hbm>> -> memref<1000000x64xf32, #tpu.memory_space<hbm>>
      %dma_wait3A_326 = tpu.memref_slice %arg8[%dma_wait3A_317] : memref<4x!tpu.dma_semaphore, #tpu.memory_space<semaphore_mem>> -> memref<1x!tpu.dma_semaphore, #tpu.memory_space<semaphore_mem>>
      %dma_wait3A_327 = tpu.memref_squeeze %dma_wait3A_326 : memref<1x!tpu.dma_semaphore, #tpu.memory_space<semaphore_mem>> -> memref<!tpu.dma_semaphore, #tpu.memory_space<semaphore_mem>>
      tpu.wait_indirect_dma semaphore(%dma_wait3A_327 : memref<!tpu.dma_semaphore, #tpu.memory_space<semaphore_mem>>) src(%dma_wait3A_325 : memref<1000000x64xf32, #tpu.memory_space<hbm>>) dst(%dma_wait3A_321 : memref<200x64xf32, #tpu.memory_space<vmem>>)
      %gt3A_328 = arith.constant 0 : i32
      %gt3A_329 = arith.cmpi sgt, %scan3A_148, %gt3A_328 : i32
      %convert_element_type3A_330 = arith.extui %gt3A_329 : i1 to i32
      %cond3A_331 = arith.constant 0 : i32
      %cond3A_332 = arith.cmpi ne, %convert_element_type3A_330, %cond3A_331 : i32
      scf.if %cond3A_332 {
        %sub3A = arith.constant 4 : i32
        %sub3A_365 = arith.subi %add3A_313, %sub3A : i32
        %add3A_366 = arith.addi %mul3A_2, %sub3A_365 : i32
        %dma_wait3A_367 = arith.constant 3 : i32
        %dma_wait3A_368 = arith.constant 3 : i32
        %dma_wait3A_369 = arith.constant 0 : i32
        %dma_wait3A_370 = arith.constant 0 : i32
        %dma_wait3A_371 = tpu.memref_slice %arg7[%dma_wait3A_367, %dma_wait3A_369, %dma_wait3A_370] : memref<4x200x64xf32, #tpu.memory_space<vmem>> -> memref<1x200x64xf32, #tpu.memory_space<vmem>>
        %dma_wait3A_372 = tpu.memref_squeeze %dma_wait3A_371 : memref<1x200x64xf32, #tpu.memory_space<vmem>> -> memref<200x64xf32, #tpu.memory_space<vmem>>
        %dma_wait3A_373 = arith.constant 0 : i32
        %dma_wait3A_374 = arith.constant 0 : i32
        %dma_wait3A_375 = tpu.memref_slice %arg4[%add3A_366, %dma_wait3A_373, %dma_wait3A_374] : memref<4096x200x64xf32, #tpu.memory_space<hbm>> -> memref<1x200x64xf32, #tpu.memory_space<hbm>>
        %dma_wait3A_376 = tpu.memref_squeeze %dma_wait3A_375 : memref<1x200x64xf32, #tpu.memory_space<hbm>> -> memref<200x64xf32, #tpu.memory_space<hbm>>
        %dma_wait3A_377 = tpu.memref_slice %arg9[%dma_wait3A_368] : memref<4x!tpu.dma_semaphore, #tpu.memory_space<semaphore_mem>> -> memref<1x!tpu.dma_semaphore, #tpu.memory_space<semaphore_mem>>
        %dma_wait3A_378 = tpu.memref_squeeze %dma_wait3A_377 : memref<1x!tpu.dma_semaphore, #tpu.memory_space<semaphore_mem>> -> memref<!tpu.dma_semaphore, #tpu.memory_space<semaphore_mem>>
        %dma_wait3A_379 = arith.constant 0 : i32
        %dma_wait3A_380 = arith.constant 0 : i32
        %dma_wait3A_381 = tpu.memref_slice %arg4[%add3A_366, %dma_wait3A_379, %dma_wait3A_380] : memref<4096x200x64xf32, #tpu.memory_space<hbm>> -> memref<1x200x64xf32, #tpu.memory_space<hbm>>
        %dma_wait3A_382 = tpu.memref_squeeze %dma_wait3A_381 : memref<1x200x64xf32, #tpu.memory_space<hbm>> -> memref<200x64xf32, #tpu.memory_space<hbm>>
        %dma_wait3A_383 = arith.constant 0 : i32
        %dma_wait3A_384 = arith.constant 0 : i32
        %dma_wait3A_385 = tpu.memref_slice %arg7[%dma_wait3A_367, %dma_wait3A_383, %dma_wait3A_384] : memref<4x200x64xf32, #tpu.memory_space<vmem>> -> memref<1x200x64xf32, #tpu.memory_space<vmem>>
        %dma_wait3A_386 = tpu.memref_squeeze %dma_wait3A_385 : memref<1x200x64xf32, #tpu.memory_space<vmem>> -> memref<200x64xf32, #tpu.memory_space<vmem>>
        tpu.wait_dma2 semaphore(%dma_wait3A_378 : memref<!tpu.dma_semaphore, #tpu.memory_space<semaphore_mem>>) src(%dma_wait3A_386 : memref<200x64xf32, #tpu.memory_space<vmem>>) dst(%dma_wait3A_382 : memref<200x64xf32, #tpu.memory_space<hbm>>)
      } else {
      }
      %scan3A_333 = arith.constant 0 : i32
      %scan3A_334 = arith.constant 0 : i32
      %scan3A_335 = arith.constant 200 : i32
      %scan3A_336 = arith.addi %scan3A_334, %scan3A_335 : i32
      %scan3A_337 = arith.constant 1 : i32
      scf.for %scan3A_365 = %scan3A_334 to %scan3A_336 step %scan3A_337  : i32 {
        %get3A = arith.constant 3 : i32
        %get3A_366 = arith.index_cast %get3A : i32 to index
        %get3A_367 = arith.index_cast %scan3A_365 : i32 to index
        %get3A_368 = arith.constant 0 : index
        %get3A_369 = tpu.vector_load %arg6[%get3A_366, %get3A_367, %get3A_368] {strides = array<i32>} : memref<4x200x64xf32, #tpu.memory_space<vmem>>, vector<1x1x16xf32>,
        %get3A_370 = vector.shape_cast %get3A_369 : vector<1x1x16xf32> to vector<16xf32>
        %mul3A_371 = arith.constant 8.000000e+00 : f32
        %mul3A_372 = vector.broadcast %mul3A_371 : f32 to vector<16xf32>
        %mul3A_373 = arith.mulf %get3A_370, %mul3A_372 : vector<16xf32>
        %swap3A = arith.constant 3 : i32
        %swap3A_374 = arith.index_cast %swap3A : i32 to index
        %swap3A_375 = arith.index_cast %scan3A_365 : i32 to index
        %swap3A_376 = arith.constant 0 : index
        %swap3A_377 = tpu.vector_load %arg7[%swap3A_374, %swap3A_375, %swap3A_376] {strides = array<i32>} : memref<4x200x64xf32, #tpu.memory_space<vmem>>, vector<1x1x16xf32>,
        %swap3A_378 = vector.shape_cast %swap3A_377 : vector<1x1x16xf32> to vector<16xf32>
        %swap3A_379 = vector.shape_cast %mul3A_373 : vector<16xf32> to vector<1x1x16xf32>
        tpu.vector_store %arg7[%swap3A_374, %swap3A_375, %swap3A_376], %swap3A_379 {strides = array<i32>} : memref<4x200x64xf32, #tpu.memory_space<vmem>>, vector<1x1x16xf32>,
        %get3A_380 = arith.constant 3 : i32
        %get3A_381 = arith.index_cast %get3A_380 : i32 to index
        %get3A_382 = arith.index_cast %scan3A_365 : i32 to index
        %get3A_383 = arith.constant 16 : index
        %get3A_384 = tpu.vector_load %arg6[%get3A_381, %get3A_382, %get3A_383] {strides = array<i32>} : memref<4x200x64xf32, #tpu.memory_space<vmem>>, vector<1x1x16xf32>,
        %get3A_385 = vector.shape_cast %get3A_384 : vector<1x1x16xf32> to vector<16xf32>
        %mul3A_386 = arith.constant 8.000000e+00 : f32
        %mul3A_387 = vector.broadcast %mul3A_386 : f32 to vector<16xf32>
        %mul3A_388 = arith.mulf %get3A_385, %mul3A_387 : vector<16xf32>
        %swap3A_389 = arith.constant 3 : i32
        %swap3A_390 = arith.index_cast %swap3A_389 : i32 to index
        %swap3A_391 = arith.index_cast %scan3A_365 : i32 to index
        %swap3A_392 = arith.constant 16 : index
        %swap3A_393 = tpu.vector_load %arg7[%swap3A_390, %swap3A_391, %swap3A_392] {strides = array<i32>} : memref<4x200x64xf32, #tpu.memory_space<vmem>>, vector<1x1x16xf32>,
        %swap3A_394 = vector.shape_cast %swap3A_393 : vector<1x1x16xf32> to vector<16xf32>
        %swap3A_395 = vector.shape_cast %mul3A_388 : vector<16xf32> to vector<1x1x16xf32>
        tpu.vector_store %arg7[%swap3A_390, %swap3A_391, %swap3A_392], %swap3A_395 {strides = array<i32>} : memref<4x200x64xf32, #tpu.memory_space<vmem>>, vector<1x1x16xf32>,
        %get3A_396 = arith.constant 3 : i32
        %get3A_397 = arith.index_cast %get3A_396 : i32 to index
        %get3A_398 = arith.index_cast %scan3A_365 : i32 to index
        %get3A_399 = arith.constant 32 : index
        %get3A_400 = tpu.vector_load %arg6[%get3A_397, %get3A_398, %get3A_399] {strides = array<i32>} : memref<4x200x64xf32, #tpu.memory_space<vmem>>, vector<1x1x16xf32>,
        %get3A_401 = vector.shape_cast %get3A_400 : vector<1x1x16xf32> to vector<16xf32>
        %mul3A_402 = arith.constant 8.000000e+00 : f32
        %mul3A_403 = vector.broadcast %mul3A_402 : f32 to vector<16xf32>
        %mul3A_404 = arith.mulf %get3A_401, %mul3A_403 : vector<16xf32>
        %swap3A_405 = arith.constant 3 : i32
        %swap3A_406 = arith.index_cast %swap3A_405 : i32 to index
        %swap3A_407 = arith.index_cast %scan3A_365 : i32 to index
        %swap3A_408 = arith.constant 32 : index
        %swap3A_409 = tpu.vector_load %arg7[%swap3A_406, %swap3A_407, %swap3A_408] {strides = array<i32>} : memref<4x200x64xf32, #tpu.memory_space<vmem>>, vector<1x1x16xf32>,
        %swap3A_410 = vector.shape_cast %swap3A_409 : vector<1x1x16xf32> to vector<16xf32>
        %swap3A_411 = vector.shape_cast %mul3A_404 : vector<16xf32> to vector<1x1x16xf32>
        tpu.vector_store %arg7[%swap3A_406, %swap3A_407, %swap3A_408], %swap3A_411 {strides = array<i32>} : memref<4x200x64xf32, #tpu.memory_space<vmem>>, vector<1x1x16xf32>,
        %get3A_412 = arith.constant 3 : i32
        %get3A_413 = arith.index_cast %get3A_412 : i32 to index
        %get3A_414 = arith.index_cast %scan3A_365 : i32 to index
        %get3A_415 = arith.constant 48 : index
        %get3A_416 = tpu.vector_load %arg6[%get3A_413, %get3A_414, %get3A_415] {strides = array<i32>} : memref<4x200x64xf32, #tpu.memory_space<vmem>>, vector<1x1x16xf32>,
        %get3A_417 = vector.shape_cast %get3A_416 : vector<1x1x16xf32> to vector<16xf32>
        %mul3A_418 = arith.constant 8.000000e+00 : f32
        %mul3A_419 = vector.broadcast %mul3A_418 : f32 to vector<16xf32>
        %mul3A_420 = arith.mulf %get3A_417, %mul3A_419 : vector<16xf32>
        %swap3A_421 = arith.constant 3 : i32
        %swap3A_422 = arith.index_cast %swap3A_421 : i32 to index
        %swap3A_423 = arith.index_cast %scan3A_365 : i32 to index
        %swap3A_424 = arith.constant 48 : index
        %swap3A_425 = tpu.vector_load %arg7[%swap3A_422, %swap3A_423, %swap3A_424] {strides = array<i32>} : memref<4x200x64xf32, #tpu.memory_space<vmem>>, vector<1x1x16xf32>,
        %swap3A_426 = vector.shape_cast %swap3A_425 : vector<1x1x16xf32> to vector<16xf32>
        %swap3A_427 = vector.shape_cast %mul3A_420 : vector<16xf32> to vector<1x1x16xf32>
        tpu.vector_store %arg7[%swap3A_422, %swap3A_423, %swap3A_424], %swap3A_427 {strides = array<i32>} : memref<4x200x64xf32, #tpu.memory_space<vmem>>, vector<1x1x16xf32>,
      }
      %scan3A_338 = arith.constant 200 : i32
      %add3A_339 = arith.addi %mul3A_2, %add3A_313 : i32
      %dma_start3A_340 = arith.constant 3 : i32
      %dma_start3A_341 = arith.constant 3 : i32
      %dma_start3A_342 = arith.constant 0 : i32
      %dma_start3A_343 = arith.constant 0 : i32
      %dma_start3A_344 = tpu.memref_slice %arg7[%dma_start3A_340, %dma_start3A_342, %dma_start3A_343] : memref<4x200x64xf32, #tpu.memory_space<vmem>> -> memref<1x200x64xf32, #tpu.memory_space<vmem>>
      %dma_start3A_345 = tpu.memref_squeeze %dma_start3A_344 : memref<1x200x64xf32, #tpu.memory_space<vmem>> -> memref<200x64xf32, #tpu.memory_space<vmem>>
      %dma_start3A_346 = arith.constant 0 : i32
      %dma_start3A_347 = arith.constant 0 : i32
      %dma_start3A_348 = tpu.memref_slice %arg4[%add3A_339, %dma_start3A_346, %dma_start3A_347] : memref<4096x200x64xf32, #tpu.memory_space<hbm>> -> memref<1x200x64xf32, #tpu.memory_space<hbm>>
      %dma_start3A_349 = tpu.memref_squeeze %dma_start3A_348 : memref<1x200x64xf32, #tpu.memory_space<hbm>> -> memref<200x64xf32, #tpu.memory_space<hbm>>
      %dma_start3A_350 = tpu.memref_slice %arg9[%dma_start3A_341] : memref<4x!tpu.dma_semaphore, #tpu.memory_space<semaphore_mem>> -> memref<1x!tpu.dma_semaphore, #tpu.memory_space<semaphore_mem>>
      %dma_start3A_351 = tpu.memref_squeeze %dma_start3A_350 : memref<1x!tpu.dma_semaphore, #tpu.memory_space<semaphore_mem>> -> memref<!tpu.dma_semaphore, #tpu.memory_space<semaphore_mem>>
      %dma_start3A_352 = arith.constant 0 : i32
      %dma_start3A_353 = arith.constant 0 : i32
      %dma_start3A_354 = tpu.memref_slice %arg4[%add3A_339, %dma_start3A_352, %dma_start3A_353] : memref<4096x200x64xf32, #tpu.memory_space<hbm>> -> memref<1x200x64xf32, #tpu.memory_space<hbm>>
      %dma_start3A_355 = tpu.memref_squeeze %dma_start3A_354 : memref<1x200x64xf32, #tpu.memory_space<hbm>> -> memref<200x64xf32, #tpu.memory_space<hbm>>
      %dma_start3A_356 = arith.constant 0 : i32
      %dma_start3A_357 = arith.constant 0 : i32
      %dma_start3A_358 = tpu.memref_slice %arg7[%dma_start3A_340, %dma_start3A_356, %dma_start3A_357] : memref<4x200x64xf32, #tpu.memory_space<vmem>> -> memref<1x200x64xf32, #tpu.memory_space<vmem>>
      %dma_start3A_359 = tpu.memref_squeeze %dma_start3A_358 : memref<1x200x64xf32, #tpu.memory_space<vmem>> -> memref<200x64xf32, #tpu.memory_space<vmem>>
      tpu.enqueue_dma source(%dma_start3A_359 : memref<200x64xf32, #tpu.memory_space<vmem>>) target(%dma_start3A_355 : memref<200x64xf32, #tpu.memory_space<hbm>>) target_semaphore(%dma_start3A_351 : memref<!tpu.dma_semaphore, #tpu.memory_space<semaphore_mem>>)
      %lt3A_360 = arith.constant 31 : i32
      %lt3A_361 = arith.cmpi slt, %scan3A_148, %lt3A_360 : i32
      %convert_element_type3A_362 = arith.extui %lt3A_361 : i1 to i32
      %cond3A_363 = arith.constant 0 : i32
      %cond3A_364 = arith.cmpi ne, %convert_element_type3A_362, %cond3A_363 : i32
      scf.if %cond3A_364 {
        %add3A_365 = arith.constant 4 : i32
        %add3A_366 = arith.addi %add3A_313, %add3A_365 : i32
        %mul3A_367 = arith.constant 200 : i32
        %mul3A_368 = arith.muli %add3A_366, %mul3A_367 : i32
        %dma_start3A_369 = arith.constant 3 : i32
        %dma_start3A_370 = arith.constant 3 : i32
        %dma_start3A_371 = arith.constant 0 : i32
        %dma_start3A_372 = arith.constant 0 : i32
        %dma_start3A_373 = tpu.memref_slice %arg6[%dma_start3A_369, %dma_start3A_371, %dma_start3A_372] : memref<4x200x64xf32, #tpu.memory_space<vmem>> -> memref<1x200x64xf32, #tpu.memory_space<vmem>>
        %dma_start3A_374 = tpu.memref_squeeze %dma_start3A_373 : memref<1x200x64xf32, #tpu.memory_space<vmem>> -> memref<200x64xf32, #tpu.memory_space<vmem>>
        %dma_start3A_375 = tpu.memref_slice %arg5[%mul3A_368] : memref<25600xi32, #tpu.memory_space<vmem>> -> memref<200xi32, #tpu.memory_space<vmem>>
        %dma_start3A_376 = arith.constant 0 : i32
        %dma_start3A_377 = arith.constant 0 : i32
        %dma_start3A_378 = tpu.memref_slice %arg3[%dma_start3A_376, %dma_start3A_377] : memref<1000000x64xf32, #tpu.memory_space<hbm>> -> memref<1000000x64xf32, #tpu.memory_space<hbm>>
        %dma_start3A_379 = tpu.memref_slice %arg8[%dma_start3A_370] : memref<4x!tpu.dma_semaphore, #tpu.memory_space<semaphore_mem>> -> memref<1x!tpu.dma_semaphore, #tpu.memory_space<semaphore_mem>>
        %dma_start3A_380 = tpu.memref_squeeze %dma_start3A_379 : memref<1x!tpu.dma_semaphore, #tpu.memory_space<semaphore_mem>> -> memref<!tpu.dma_semaphore, #tpu.memory_space<semaphore_mem>>
        tpu.enqueue_indirect_dma source(%dma_start3A_378 : memref<1000000x64xf32, #tpu.memory_space<hbm>>) target(%dma_start3A_374 : memref<200x64xf32, #tpu.memory_space<vmem>>) offsets(%dma_start3A_375 : memref<200xi32, #tpu.memory_space<vmem>>) semaphore(%dma_start3A_380 : memref<!tpu.dma_semaphore, #tpu.memory_space<semaphore_mem>>)
      } else {
      }
    }
    %scan3A_60 = arith.constant 32 : i32
    %add3A_61 = arith.constant 124 : i32
    %add3A_62 = arith.addi %mul3A_2, %add3A_61 : i32
    %dma_wait3A = arith.constant 0 : i32
    %dma_wait3A_63 = arith.constant 0 : i32
    %dma_wait3A_64 = arith.constant 0 : i32
    %dma_wait3A_65 = arith.constant 0 : i32
    %dma_wait3A_66 = tpu.memref_slice %arg7[%dma_wait3A, %dma_wait3A_64, %dma_wait3A_65] : memref<4x200x64xf32, #tpu.memory_space<vmem>> -> memref<1x200x64xf32, #tpu.memory_space<vmem>>
    %dma_wait3A_67 = tpu.memref_squeeze %dma_wait3A_66 : memref<1x200x64xf32, #tpu.memory_space<vmem>> -> memref<200x64xf32, #tpu.memory_space<vmem>>
    %dma_wait3A_68 = arith.constant 0 : i32
    %dma_wait3A_69 = arith.constant 0 : i32
    %dma_wait3A_70 = tpu.memref_slice %arg4[%add3A_62, %dma_wait3A_68, %dma_wait3A_69] : memref<4096x200x64xf32, #tpu.memory_space<hbm>> -> memref<1x200x64xf32, #tpu.memory_space<hbm>>
    %dma_wait3A_71 = tpu.memref_squeeze %dma_wait3A_70 : memref<1x200x64xf32, #tpu.memory_space<hbm>> -> memref<200x64xf32, #tpu.memory_space<hbm>>
    %dma_wait3A_72 = tpu.memref_slice %arg9[%dma_wait3A_63] : memref<4x!tpu.dma_semaphore, #tpu.memory_space<semaphore_mem>> -> memref<1x!tpu.dma_semaphore, #tpu.memory_space<semaphore_mem>>
    %dma_wait3A_73 = tpu.memref_squeeze %dma_wait3A_72 : memref<1x!tpu.dma_semaphore, #tpu.memory_space<semaphore_mem>> -> memref<!tpu.dma_semaphore, #tpu.memory_space<semaphore_mem>>
    %dma_wait3A_74 = arith.constant 0 : i32
    %dma_wait3A_75 = arith.constant 0 : i32
    %dma_wait3A_76 = tpu.memref_slice %arg4[%add3A_62, %dma_wait3A_74, %dma_wait3A_75] : memref<4096x200x64xf32, #tpu.memory_space<hbm>> -> memref<1x200x64xf32, #tpu.memory_space<hbm>>
    %dma_wait3A_77 = tpu.memref_squeeze %dma_wait3A_76 : memref<1x200x64xf32, #tpu.memory_space<hbm>> -> memref<200x64xf32, #tpu.memory_space<hbm>>
    %dma_wait3A_78 = arith.constant 0 : i32
    %dma_wait3A_79 = arith.constant 0 : i32
    %dma_wait3A_80 = tpu.memref_slice %arg7[%dma_wait3A, %dma_wait3A_78, %dma_wait3A_79] : memref<4x200x64xf32, #tpu.memory_space<vmem>> -> memref<1x200x64xf32, #tpu.memory_space<vmem>>
    %dma_wait3A_81 = tpu.memref_squeeze %dma_wait3A_80 : memref<1x200x64xf32, #tpu.memory_space<vmem>> -> memref<200x64xf32, #tpu.memory_space<vmem>>
    tpu.wait_dma2 semaphore(%dma_wait3A_73 : memref<!tpu.dma_semaphore, #tpu.memory_space<semaphore_mem>>) src(%dma_wait3A_81 : memref<200x64xf32, #tpu.memory_space<vmem>>) dst(%dma_wait3A_77 : memref<200x64xf32, #tpu.memory_space<hbm>>)
    %add3A_82 = arith.constant 125 : i32
    %add3A_83 = arith.addi %mul3A_2, %add3A_82 : i32
    %dma_wait3A_84 = arith.constant 1 : i32
    %dma_wait3A_85 = arith.constant 1 : i32
    %dma_wait3A_86 = arith.constant 0 : i32
    %dma_wait3A_87 = arith.constant 0 : i32
    %dma_wait3A_88 = tpu.memref_slice %arg7[%dma_wait3A_84, %dma_wait3A_86, %dma_wait3A_87] : memref<4x200x64xf32, #tpu.memory_space<vmem>> -> memref<1x200x64xf32, #tpu.memory_space<vmem>>
    %dma_wait3A_89 = tpu.memref_squeeze %dma_wait3A_88 : memref<1x200x64xf32, #tpu.memory_space<vmem>> -> memref<200x64xf32, #tpu.memory_space<vmem>>
    %dma_wait3A_90 = arith.constant 0 : i32
    %dma_wait3A_91 = arith.constant 0 : i32
    %dma_wait3A_92 = tpu.memref_slice %arg4[%add3A_83, %dma_wait3A_90, %dma_wait3A_91] : memref<4096x200x64xf32, #tpu.memory_space<hbm>> -> memref<1x200x64xf32, #tpu.memory_space<hbm>>
    %dma_wait3A_93 = tpu.memref_squeeze %dma_wait3A_92 : memref<1x200x64xf32, #tpu.memory_space<hbm>> -> memref<200x64xf32, #tpu.memory_space<hbm>>
    %dma_wait3A_94 = tpu.memref_slice %arg9[%dma_wait3A_85] : memref<4x!tpu.dma_semaphore, #tpu.memory_space<semaphore_mem>> -> memref<1x!tpu.dma_semaphore, #tpu.memory_space<semaphore_mem>>
    %dma_wait3A_95 = tpu.memref_squeeze %dma_wait3A_94 : memref<1x!tpu.dma_semaphore, #tpu.memory_space<semaphore_mem>> -> memref<!tpu.dma_semaphore, #tpu.memory_space<semaphore_mem>>
    %dma_wait3A_96 = arith.constant 0 : i32
    %dma_wait3A_97 = arith.constant 0 : i32
    %dma_wait3A_98 = tpu.memref_slice %arg4[%add3A_83, %dma_wait3A_96, %dma_wait3A_97] : memref<4096x200x64xf32, #tpu.memory_space<hbm>> -> memref<1x200x64xf32, #tpu.memory_space<hbm>>
    %dma_wait3A_99 = tpu.memref_squeeze %dma_wait3A_98 : memref<1x200x64xf32, #tpu.memory_space<hbm>> -> memref<200x64xf32, #tpu.memory_space<hbm>>
    %dma_wait3A_100 = arith.constant 0 : i32
    %dma_wait3A_101 = arith.constant 0 : i32
    %dma_wait3A_102 = tpu.memref_slice %arg7[%dma_wait3A_84, %dma_wait3A_100, %dma_wait3A_101] : memref<4x200x64xf32, #tpu.memory_space<vmem>> -> memref<1x200x64xf32, #tpu.memory_space<vmem>>
    %dma_wait3A_103 = tpu.memref_squeeze %dma_wait3A_102 : memref<1x200x64xf32, #tpu.memory_space<vmem>> -> memref<200x64xf32, #tpu.memory_space<vmem>>
    tpu.wait_dma2 semaphore(%dma_wait3A_95 : memref<!tpu.dma_semaphore, #tpu.memory_space<semaphore_mem>>) src(%dma_wait3A_103 : memref<200x64xf32, #tpu.memory_space<vmem>>) dst(%dma_wait3A_99 : memref<200x64xf32, #tpu.memory_space<hbm>>)
    %add3A_104 = arith.constant 126 : i32
    %add3A_105 = arith.addi %mul3A_2, %add3A_104 : i32
    %dma_wait3A_106 = arith.constant 2 : i32
    %dma_wait3A_107 = arith.constant 2 : i32
    %dma_wait3A_108 = arith.constant 0 : i32
    %dma_wait3A_109 = arith.constant 0 : i32
    %dma_wait3A_110 = tpu.memref_slice %arg7[%dma_wait3A_106, %dma_wait3A_108, %dma_wait3A_109] : memref<4x200x64xf32, #tpu.memory_space<vmem>> -> memref<1x200x64xf32, #tpu.memory_space<vmem>>
    %dma_wait3A_111 = tpu.memref_squeeze %dma_wait3A_110 : memref<1x200x64xf32, #tpu.memory_space<vmem>> -> memref<200x64xf32, #tpu.memory_space<vmem>>
    %dma_wait3A_112 = arith.constant 0 : i32
    %dma_wait3A_113 = arith.constant 0 : i32
    %dma_wait3A_114 = tpu.memref_slice %arg4[%add3A_105, %dma_wait3A_112, %dma_wait3A_113] : memref<4096x200x64xf32, #tpu.memory_space<hbm>> -> memref<1x200x64xf32, #tpu.memory_space<hbm>>
    %dma_wait3A_115 = tpu.memref_squeeze %dma_wait3A_114 : memref<1x200x64xf32, #tpu.memory_space<hbm>> -> memref<200x64xf32, #tpu.memory_space<hbm>>
    %dma_wait3A_116 = tpu.memref_slice %arg9[%dma_wait3A_107] : memref<4x!tpu.dma_semaphore, #tpu.memory_space<semaphore_mem>> -> memref<1x!tpu.dma_semaphore, #tpu.memory_space<semaphore_mem>>
    %dma_wait3A_117 = tpu.memref_squeeze %dma_wait3A_116 : memref<1x!tpu.dma_semaphore, #tpu.memory_space<semaphore_mem>> -> memref<!tpu.dma_semaphore, #tpu.memory_space<semaphore_mem>>
    %dma_wait3A_118 = arith.constant 0 : i32
    %dma_wait3A_119 = arith.constant 0 : i32
    %dma_wait3A_120 = tpu.memref_slice %arg4[%add3A_105, %dma_wait3A_118, %dma_wait3A_119] : memref<4096x200x64xf32, #tpu.memory_space<hbm>> -> memref<1x200x64xf32, #tpu.memory_space<hbm>>
    %dma_wait3A_121 = tpu.memref_squeeze %dma_wait3A_120 : memref<1x200x64xf32, #tpu.memory_space<hbm>> -> memref<200x64xf32, #tpu.memory_space<hbm>>
    %dma_wait3A_122 = arith.constant 0 : i32
    %dma_wait3A_123 = arith.constant 0 : i32
    %dma_wait3A_124 = tpu.memref_slice %arg7[%dma_wait3A_106, %dma_wait3A_122, %dma_wait3A_123] : memref<4x200x64xf32, #tpu.memory_space<vmem>> -> memref<1x200x64xf32, #tpu.memory_space<vmem>>
    %dma_wait3A_125 = tpu.memref_squeeze %dma_wait3A_124 : memref<1x200x64xf32, #tpu.memory_space<vmem>> -> memref<200x64xf32, #tpu.memory_space<vmem>>
    tpu.wait_dma2 semaphore(%dma_wait3A_117 : memref<!tpu.dma_semaphore, #tpu.memory_space<semaphore_mem>>) src(%dma_wait3A_125 : memref<200x64xf32, #tpu.memory_space<vmem>>) dst(%dma_wait3A_121 : memref<200x64xf32, #tpu.memory_space<hbm>>)
    %add3A_126 = arith.constant 127 : i32
    %add3A_127 = arith.addi %mul3A_2, %add3A_126 : i32
    %dma_wait3A_128 = arith.constant 3 : i32
    %dma_wait3A_129 = arith.constant 3 : i32
    %dma_wait3A_130 = arith.constant 0 : i32
    %dma_wait3A_131 = arith.constant 0 : i32
    %dma_wait3A_132 = tpu.memref_slice %arg7[%dma_wait3A_128, %dma_wait3A_130, %dma_wait3A_131] : memref<4x200x64xf32, #tpu.memory_space<vmem>> -> memref<1x200x64xf32, #tpu.memory_space<vmem>>
    %dma_wait3A_133 = tpu.memref_squeeze %dma_wait3A_132 : memref<1x200x64xf32, #tpu.memory_space<vmem>> -> memref<200x64xf32, #tpu.memory_space<vmem>>
    %dma_wait3A_134 = arith.constant 0 : i32
    %dma_wait3A_135 = arith.constant 0 : i32
    %dma_wait3A_136 = tpu.memref_slice %arg4[%add3A_127, %dma_wait3A_134, %dma_wait3A_135] : memref<4096x200x64xf32, #tpu.memory_space<hbm>> -> memref<1x200x64xf32, #tpu.memory_space<hbm>>
    %dma_wait3A_137 = tpu.memref_squeeze %dma_wait3A_136 : memref<1x200x64xf32, #tpu.memory_space<hbm>> -> memref<200x64xf32, #tpu.memory_space<hbm>>
    %dma_wait3A_138 = tpu.memref_slice %arg9[%dma_wait3A_129] : memref<4x!tpu.dma_semaphore, #tpu.memory_space<semaphore_mem>> -> memref<1x!tpu.dma_semaphore, #tpu.memory_space<semaphore_mem>>
    %dma_wait3A_139 = tpu.memref_squeeze %dma_wait3A_138 : memref<1x!tpu.dma_semaphore, #tpu.memory_space<semaphore_mem>> -> memref<!tpu.dma_semaphore, #tpu.memory_space<semaphore_mem>>
    %dma_wait3A_140 = arith.constant 0 : i32
    %dma_wait3A_141 = arith.constant 0 : i32
    %dma_wait3A_142 = tpu.memref_slice %arg4[%add3A_127, %dma_wait3A_140, %dma_wait3A_141] : memref<4096x200x64xf32, #tpu.memory_space<hbm>> -> memref<1x200x64xf32, #tpu.memory_space<hbm>>
    %dma_wait3A_143 = tpu.memref_squeeze %dma_wait3A_142 : memref<1x200x64xf32, #tpu.memory_space<hbm>> -> memref<200x64xf32, #tpu.memory_space<hbm>>
    %dma_wait3A_144 = arith.constant 0 : i32
    %dma_wait3A_145 = arith.constant 0 : i32
    %dma_wait3A_146 = tpu.memref_slice %arg7[%dma_wait3A_128, %dma_wait3A_144, %dma_wait3A_145] : memref<4x200x64xf32, #tpu.memory_space<vmem>> -> memref<1x200x64xf32, #tpu.memory_space<vmem>>
    %dma_wait3A_147 = tpu.memref_squeeze %dma_wait3A_146 : memref<1x200x64xf32, #tpu.memory_space<vmem>> -> memref<200x64xf32, #tpu.memory_space<vmem>>
    tpu.wait_dma2 semaphore(%dma_wait3A_139 : memref<!tpu.dma_semaphore, #tpu.memory_space<semaphore_mem>>) src(%dma_wait3A_147 : memref<200x64xf32, #tpu.memory_space<vmem>>) dst(%dma_wait3A_143 : memref<200x64xf32, #tpu.memory_space<hbm>>)
    return
  }
}

</mosaic_0001>

<sc_bundles>
// kernel: kernel.3.cloned.1.call-start
scs
__scs_entry_jumppad:
0x0: {  	(pc) =	sbr.rel $0x88, $3  }
0x1: {  	(tag) =	ssettag $0x0;
	lr =	simm.s32 $0x1  }
0x2: {  	[smem:$0x3F9F] =	sst lr;
	_ =	strace $0xD0000000  }
0x3: {  	_ = 	snop  }
0x4: {  	_ = 	snop  }
0x5: {  	_ = 	snop  }
0x6: {  	_ = 	snop  }
0x7: {  	_ = 	snop  }
__scs_overlays_trampoline_lowered:
0x8: {  	[smem:$0x3FAE] =	sst s0  }
0x9: {  	[smem:$0x3FAF] =	sst s1  }
0xa: {  	[smem:$0x3FB0] =	sst s2  }
0xb: {  	[smem:$0x3FB1] =	sst s3  }
0xc: {  	[smem:$0x3FB2] =	sst s4  }
0xd: {  	[smem:$0x3FB3] =	sst s5  }
0xe: {  	[smem:$0x3FB4] =	sst s6  }
0xf: {  	[smem:$0x3FB5] =	sst s7  }
0x10: {  	[smem:$0x3FB6] =	sst s8  }
0x11: {  	[smem:$0x3FB7] =	sst s9;
	s0 =	simm.s32 @!p0 $0x0  }
0x12: {  	s1 =	sld [smem:$0x3F9D];
	s0 =	simm.s32 @p0 $0x1  }
0x13: {  	[smem:$0x3FB8] =	sst s0;
	s0 =	simm.s32 @!p1 $0x0  }
0x14: {  	s2 =	sld [smem:$0x3F9C];
	s0 =	simm.s32 @p1 $0x1  }
0x15: {  	[smem:$0x3FB9] =	sst s0;
	s0 =	simm.s32 @!p2 $0x0  }
0x16: {  	s3 =	sld [smem:$0x3FDB];
	s0 =	simm.s32 @p2 $0x1  }
0x17: {  	s4 =	simm.s32 $0x1BF5;
	[smem:$0x3FBB] =	sst s0  }
0x18: {  	s0 =	sld [smem:$0x3F9E];
	_ =	swait.ge [sflag:s4], $0x0  }
0x19: {  	s7 =	sld [smem:$0x3F9F]  }
0x1a: {  	s8 =	sadd.s32 $0xFFFFE003, lr  }
0x1b: {  	s9 =	sadd.s32 $0xFFFFFEF7, lr;
	s5 =	simm.s32 $0xFFFFFFFF;
	p2 =	slt.u32 s8, $0xFFFFF086  }
0x1c: {  	p1 =	slt.u32 s9, $0xF7A;
	s5 =	simm.s32 @!p2 $0x0  }
0x1d: {  	s5 =	simm.s32 @p1 $0x1;
	p0 =	seq.s32 s7, s2  }
0x1e: {  	s7 =	smul.u32 @!p0 $0xF7A, s2;
	p2 =	seq.s32 @!p0 s5, $0x0  }
0x1f: {  	s9 =	smul.u32 $0xF7A, s1;
	s8 =	simm.s32 @!p0 $0x1BF5;
	p2 =	por !p2, p0  }
0x20: {  	[sflag:s8] =	ssyncset.s32 @!p0 $0xFFFFF086;
	s6 =	sadd.s32 @!p0 s3, s7;
	s7 =	simm.s32 @!p0 $0x108  }
0x21: {  	s3 =	sadd.s32 s3, s9;
	s6 =	sadd.s32 @!p0 $0x88, s6;
	s7 =	simm.s32 @p2 $0x1082  }
0x22: {  	[simem:s7], [sflag:s8] =	dma.local @!p0 [hbm:s6], $0xF7A  }
0x23: {  	s9 =	sor.u32 $0xD0000000, s2;
	s6 =	simm.s32 $0x108;
	_ =	swait.ge @!p0 [sflag:s8], $0x0  }
0x24: {  	s3 =	sadd.s32 $0x88, s3;
	s6 =	simm.s32 @!p1 $0x1082;
	[sflag:s4] =	ssyncset.s32 $0xFFFFF086  }
0x25: {  	[simem:s6], [sflag:s4] =	dma.local [hbm:s3], $0xF7A  }
0x26: {  	[smem:$0x3F9F] =	sst s1;
	(tag) =	ssettag s2;
	_ =	strace s9  }
0x27: {  	s1 =	sld [smem:$0x3FAF]  }
0x28: {  	s2 =	sld [smem:$0x3FB0]  }
0x29: {  	s4 =	sld [smem:$0x3FB2]  }
0x2a: {  	p0 =	seq.s32 s5, $0x0;
	s5 =	sld [smem:$0x3FB3]  }
0x2b: {  	s6 =	sld [smem:$0x3FB4]  }
0x2c: {  	s7 =	sld [smem:$0x3FB5]  }
0x2d: {  	s3 =	simm.s32 $0x108;
	s8 =	sld [smem:$0x3FB6]  }
0x2e: {  	s3 =	simm.s32 @!p0 $0x1082;
	s9 =	sld [smem:$0x3FB7]  }
0x2f: {  	lr =	sadd.s32 s0, s3;
	s0 =	sld [smem:$0x3FAE]  }
0x30: {  	s3 =	sld [smem:$0x3FB1]  }
0x31: {  	[smem:$0x3FBA] =	sst s10  }
0x32: {  	s10 =	sld [smem:$0x3FB8];
	_ =	sdelay $0x3  }
0x33: {  	p0 =	seq.s32 s10, $0x1;
	s10 =	sld [smem:$0x3FBA];
	_ =	sdelay $0x3  }
0x34: {  	[smem:$0x3FBA] =	sst s10  }
0x35: {  	s10 =	sld [smem:$0x3FB9];
	_ =	sdelay $0x3  }
0x36: {  	p1 =	seq.s32 s10, $0x1;
	s10 =	sld [smem:$0x3FBA];
	_ =	sdelay $0x3  }
0x37: {  	[smem:$0x3FBA] =	sst s10  }
0x38: {  	s10 =	sld [smem:$0x3FBB]  }
0x39: {  	_ = 	snop;
	(pc) =	sbr.ind lr, $3  }
0x3a: {  	_ = 	snop  }
0x3b: {  	_ = 	snop  }
0x3c: {  	p2 =	seq.s32 s10, $0x1;
	s10 =	sld [smem:$0x3FBA]  }
0x3d: {  	_ =	shalt  }
0x3e: {  	_ =	shalt  }
0x3f: {  	_ =	shalt  }
0x40: {  	_ =	shalt  }
0x41: {  	_ =	shalt  }
0x42: {  	_ =	shalt  }
0x43: {  	_ =	shalt  }
0x44: {  	_ =	shalt  }
0x45: {  	_ =	shalt  }
0x46: {  	_ =	shalt  }
0x47: {  	_ =	shalt  }
0x48: {  	_ =	shalt  }
0x49: {  	_ =	shalt  }
0x4a: {  	_ =	shalt  }
0x4b: {  	_ =	shalt  }
0x4c: {  	_ =	shalt  }
0x4d: {  	_ =	shalt  }
0x4e: {  	_ =	shalt  }
0x4f: {  	_ =	shalt  }
0x50: {  	_ =	shalt  }
0x51: {  	_ =	shalt  }
0x52: {  	_ =	shalt  }
0x53: {  	_ =	shalt  }
0x54: {  	_ =	shalt  }
0x55: {  	_ =	shalt  }
0x56: {  	_ =	shalt  }
0x57: {  	_ =	shalt  }
0x58: {  	_ =	shalt  }
0x59: {  	_ =	shalt  }
0x5a: {  	_ =	shalt  }
0x5b: {  	_ =	shalt  }
0x5c: {  	_ =	shalt  }
0x5d: {  	_ =	shalt  }
0x5e: {  	_ =	shalt  }
0x5f: {  	_ =	shalt  }
0x60: {  	_ =	shalt  }
0x61: {  	_ =	shalt  }
0x62: {  	_ =	shalt  }
0x63: {  	_ =	shalt  }
0x64: {  	_ =	shalt  }
0x65: {  	_ =	shalt  }
0x66: {  	_ =	shalt  }
0x67: {  	_ =	shalt  }
0x68: {  	_ =	shalt  }
0x69: {  	_ =	shalt  }
0x6a: {  	_ =	shalt  }
0x6b: {  	_ =	shalt  }
0x6c: {  	_ =	shalt  }
0x6d: {  	_ =	shalt  }
0x6e: {  	_ =	shalt  }
0x6f: {  	_ =	shalt  }
0x70: {  	_ =	shalt  }
0x71: {  	_ =	shalt  }
0x72: {  	_ =	shalt  }
0x73: {  	_ =	shalt  }
0x74: {  	_ =	shalt  }
0x75: {  	_ =	shalt  }
0x76: {  	_ =	shalt  }
0x77: {  	_ =	shalt  }
0x78: {  	_ =	shalt  }
0x79: {  	_ =	shalt  }
0x7a: {  	_ =	shalt  }
0x7b: {  	_ =	shalt  }
0x7c: {  	_ =	shalt  }
0x7d: {  	_ =	shalt  }
0x7e: {  	_ =	shalt  }
0x7f: {  	_ =	shalt  }
0x80: {  	_ =	shalt  }
0x81: {  	_ =	shalt  }
0x82: {  	_ =	shalt  }
0x83: {  	_ =	shalt  }
0x84: {  	_ =	shalt  }
0x85: {  	_ =	shalt  }
0x86: {  	_ =	shalt  }
0x87: {  	_ =	shalt  }
.Lfunc_end0:
.L_simem_size_0:
called_computation.1_lowered:
.L_overlay_start_0:
0x88: {  	s2 =	sld [smem:$0x3FD9]  }
0x89: {  	s3 =	sld [smem:$0x3FFE];
	_ =	sdelay $0x1  }
0x8a: {  	s1 =	srdreg.scid  }
0x8b: {  	s0 =	sand.u32 $0x1, s1  }
0x8c: {  	s17 =	sshll.u32 s0, $0xA;
	s2 =	sadd.s32 s3, s2  }
0x8d: {  	s2 =	sadd.s32 s2, s17  }
0x8e: {  	[smem:$0x3FC6] =	sst s2  }
0x8f: {  	_ = 	snop  }
0x90: {  	s2 =	sld [smem:$0x3FD0];
	(tm) =	ssettm $0x1  }
0x91: {  	s18 =	sld [smem:$0x3FFB];
	_ =	sdelay $0x3  }
0x92: {  	_ =	strace s18  }
0x93: {  	s3 =	sld [smem:$0x3FFC];
	_ =	sdelay $0x3  }
0x94: {  	_ =	strace s3  }
0x95: {  	s3 =	sld [smem:$0x3FFD];
	_ =	sdelay $0x3  }
0x96: {  	_ =	strace s3  }
0x97: {  	_ =	strace $0x8FFFFFFF  }
0x98: {  	s19 =	sld [smem:$0x3FDB];
	_ =	sdelay $0x1  }
0x99: {  	s4 =	simm.s32 $_scs_section_size  }
0x9a: {  	s5 =	simm.s32 $_size__tile_overlayer_lowered;
	s6 =	simm.s32 $_tile_overlayer_lowered  }
0x9b: {  	s22 =	simm.s32 $0x1BFF;
	s21 =	sshll.u32 s6, $0x1;
	s3 =	sadd.s32 s4, s19  }
0x9c: {  	s7 =	simm.s32 $0x0;
	s20 =	sshll.u32 s5, $0x1;
	s5 =	sadd.s32 s21, s3  }
0x9d: {  	[timem:s7], [sflag:s22] =	dma.local [hbm:s5], s20  }
0x9e: {  	_ =	swait.ge [sflag:s22], s20  }
0x9f: {  	s4 =	ssub.s32 $0x0, s20;
	[sflag:s22] =	ssyncset.done $0x0  }
0xa0: {  	[sflag:s22] =	ssyncadd.s32 s4;
	_ =	sdelay $0x1  }
0xa1: {  	s23 =	simm.s32 $0x1B8B  }
0xa2: {  	_ =	swait.ge [sflag:s23], $0x1  }
0xa3: {  	[sflag:s23] =	ssyncset.done $0x0  }
0xa4: {  	s25 =	simm.s32 $0x1B8E;
	s24 =	sld [smem:$0x3FFE];
	[sflag:s23] =	ssyncadd.s32 $0xFFFFFFFF  }
0xa5: {  	s26 =	simm.s32 $execute0_lowered;
	[smem:$0x3FD2] =	sst s25  }
0xa6: {  	s5 =	sshll.u32 s26, $0x1;
	_ =	strace $0x80000046;
	[dreg:$0x1] =	wrdreg $0xFFFFFFFF  }
0xa7: {  	s28 =	simm.s32 $_size_execute0_lowered;
	s3 =	sadd.s32 s3, s5;
	[dreg:$0x0] =	wrdreg $0x0  }
0xa8: {  	s5 =	sshll.u32 s28, $0x1;
	[dreg:$0x2] =	wrdreg s3  }
0xa9: {  	[dreg:$0x3] =	wrdreg s5  }
0xaa: {  	[dreg:$0x4] =	wrdreg $0xC0  }
0xab: {  	_ =	task [dreg:s7], $0x5FFFF  }
0xac: {  	[dreg:$0x1] =	wrdreg $0xFFFFFFFF  }
0xad: {  	[dreg:$0x0] =	wrdreg $0x60  }
0xae: {  	[dreg:$0x2] =	wrdreg s24  }
0xaf: {  	[dreg:$0x3] =	wrdreg s2  }
0xb0: {  	[dreg:$0x4] =	wrdreg $0x9  }
0xb1: {  	_ =	task.clear_ibuf [dreg:s7], $0x5FFFF;
	_ =	strace $0x90000046  }
0xb2: {  	s29 =	simm.s32 $0x9;
	_ =	strace $0x80000048  }
0xb3: {  	_ =	swait.ge [sflag:s29], $0x1  }
0xb4: {  	[sflag:s29] =	ssyncadd.s32 $0xFFFFFFFF  }
0xb5: {  	_ =	strace $0x90000048  }
0xb6: {  	_ =	sfence  }
0xb7: {  	s30 =	sld [smem:$0x0];
	_ =	sdelay $0x2  }
0xb8: {  	s31 =	sshll.u32 s1, $0xD;
	s1 =	sshrl.u32 s1, $0x2  }
0xb9: {  	s3 =	sand.u32 $0x4000, s31;
	s1 =	sadd.s32 s1, s30  }
0xba: {  	s0 =	sor.u32 s3, s0;
	s1 =	sshll.u32 s1, $0x11  }
0xbb: {  	s0 =	sor.u32 s1, s0  }
0xbc: {  	s0 =	sadd.s32 $0x8F2B, s0  }
0xbd: {  	[sflag:s0] =	ssyncadd.remote.s32 $0x1  }
0xbe: {  	_ =	sfence.sel $0xFFFF  }
0xbf: {  	[dreg:$0x0] =	wrdreg $0xFFFFFFFF;
	(pc) =	sbr.abs _section_cstart, $3  }
0xc0: {  	[dreg:$0x1] =	wrdreg $0xFFFFFFFF  }
0xc1: {  	_ =	task.clear_ibuf [dreg:s7], $0x2FFFF;
	_ =	strace $0x9FFFFFFF  }
0xc2: {  	(tm) =	ssettm $0x7FFFFFFF  }
0xc3: {  	_ =	shalt  }
tec
execute0_lowered:
.L_overlay_start_1:
0x0: {  	(tag) =	ssettag $0x1  }
0x1: {  	s0 =	rddreg [dreg:$0x0];
	s1 =	srdreg.scid  }
0x2: {  	s3 =	stileid.u32;
	s2 =	rddreg [dreg:$0x1];
	s8 =	simm.s32 $0x9  }
0x3: {  	s9 =	simm.s32 $0xC8;
	s13 =	simm.s32 $0xC800;
	s14 =	simm.s32 $0x258  }
0x4: {  	s15 =	simm.s32 $0xFA00;
	s16 =	simm.s32 $0x1;
	s17 =	simm.s32 $0x12C00  }
0x5: {  	s18 =	simm.s32 $0x2;
	s19 =	simm.s32 $0x15E00;
	s20 =	simm.s32 $0x3  }
0x6: {  	s21 =	simm.s32 $0x19000;
	s22 =	simm.s32 $0x4;
	s23 =	simm.s32 $0x1C200  }
0x7: {  	s24 =	simm.s32 $0x5;
	s25 =	simm.s32 $0x6;
	s26 =	simm.s32 $0x7  }
0x8: {  	s28 =	simm.s32 $0x8;
	s1 =	sand.u32 $0x1, s1;
	s4 =	sshll.u32 s3, $0x1  }
.Ltmp0:
0x9: {  	s3 =	simm.s32 $0x0;
	s5 =	sor.u32 s1, s4;
	(pc) =	sbr.rel .LBB2_1-.Ltmp0, $4  }
0xa: {  	[smem:$0x7FF] =	sst s3;
	s1 =	ssub.s32 $0x2, s1;
	s4 =	smul.u32 $0xC80, s5  }
0xb: {  	s29 =	simm.s32 $0x0;
	_ =	strace $0x80000047;
	s6 =	sshrl.u32 s1, $0x1  }
0xc: {  	s5 =	sshll.u32 s5, $0x7;
	s31 =	ssub.s32 s1, s6;
	s7 =	sadd.s32 s4, s0  }
0xd: {  	s4 =	sadd.s32 $0xF42E00, s0;
	s6 =	sadd.s32 $0xA00, s7;
	s7 =	smax.u32 s31, $0x1  }
.LBB2_12:
0xe: {  	_ =	swait.ge [sflag:s24], $0x3200  }
0xf: {  	[sflag:s24] =	ssyncset.done $0x0  }
0x10: {  	[sflag:s24] =	ssyncadd.s32 $0xFFFFCE00  }
0x11: {  	_ =	swait.ge [sflag:s25], $0x3200  }
0x12: {  	[sflag:s25] =	ssyncset.done $0x0  }
0x13: {  	s29 =	sadd.s32 $0x1, s29;
	[sflag:s25] =	ssyncadd.s32 $0xFFFFCE00  }
0x14: {  	p0 =	sne.s32 s29, s7;
	_ =	swait.ge [sflag:s26], $0x3200  }
.Ltmp1:
0x15: {  	[sflag:s26] =	ssyncset.done $0x0;
	(pc) =	sbr.rel @!p0 .LBB2_13-.Ltmp1, $4  }
0x16: {  	[sflag:s26] =	ssyncadd.s32 $0xFFFFCE00  }
0x17: {  	_ =	swait.ge [sflag:s28], $0x3200  }
0x18: {  	[sflag:s28] =	ssyncset.done $0x0  }
0x19: {  	[sflag:s28] =	ssyncadd.s32 $0xFFFFCE00  }
.LBB2_1:
0x1a: {  	[tilespmem:s3], [sflag:$0x9] =	stream.linear.gather [hbm4b:s6+s3], $0x6400, $0x38;
	[tilespmem:$0x1F400] =	vst v63  }
0x1b: {  	_ =	swait.ge [sflag:s8], $0x6400  }
0x1c: {  	[sflag:s8] =	ssyncset.done $0x0  }
0x1d: {  	s0 =	simm.s32 $0x6400;
	[sflag:s8] =	ssyncadd.s32 $0xFFFF9C00  }
0x1e: {  	[tilespmem:s0], [sflag:$0x1] =	stream.indirect.gather [hbm4b:s4+s9], $0x40, s3, s9, $0xb8;
	[tilespmem:$0x1F400] =	vst v63  }
0x1f: {  	s12 =	simm.s32 $0x9600  }
0x20: {  	[tilespmem:s12], [sflag:$0x2] =	stream.indirect.gather [hbm4b:s4+s9], $0x40, s9, s9, $0xb8;
	[tilespmem:$0x1F400] =	vst v63  }
0x21: {  	s31 =	simm.s32 $0x190  }
0x22: {  	[tilespmem:s13], [sflag:$0x3] =	stream.indirect.gather [hbm4b:s4+s9], $0x40, s31, s9, $0xb8;
	[tilespmem:$0x1F400] =	vst v63  }
0x23: {  	s30 =	simm.s32 $0x0  }
0x24: {  	[tilespmem:s15], [sflag:$0x4] =	stream.indirect.gather [hbm4b:s4+s9], $0x40, s14, s9, $0xb8;
	[tilespmem:$0x1F400] =	vst v63  }
.LBB2_2:
0x25: {  	_ =	swait.ge [sflag:s16], $0x3200  }
0x26: {  	p0 =	seq.s32 s30, $0x0;
	[sflag:s16] =	ssyncset.done $0x0  }
0x27: {  	s0 =	simm.s32 @!p0 $0x5;
	[sflag:s16] =	ssyncadd.s32 $0xFFFFCE00  }
0x28: {  	_ =	swait.ge @!p0 [sflag:s0], $0x3200  }
0x29: {  	[sflag:s0] =	ssyncset.done @!p0 $0x0  }
0x2a: {  	s1 =	simm.s32 $0x0;
	[sflag:s0] =	ssyncadd.s32 @!p0 $0xFFFFCE00  }
0x2b: {  	v1 =	vld [tilespmem:s1+$0x6430]  }
0x2c: {  	v2 =	vld [tilespmem:s1+$0x6400]  }
0x2d: {  	v3 =	vld [tilespmem:s1+$0x6410]  }
0x2e: {  	v0 =	vld [tilespmem:s1+$0x6420]  }
0x2f: {  	s31 =	sshll.u32 s30, $0x2;
	s0 =	simm.s32 $0x100  }
.LBB2_3:
0x30: {  	s10 =	sshra.s32 s0, $0x2;
	p1 =	sne.s32 s0, $0xC700;
	s0 =	sadd.s32 $0x100, s0;
	v4 =	vmul.f32 $8.000000000e+00, v1  }
.Ltmp2:
0x31: {  	v1 =	vld [tilespmem:s10+$0x6430];
	v5 =	vmul.f32 $8.000000000e+00, v2;
	(pc) =	sbr.rel @p1 .LBB2_3-.Ltmp2, $4  }
0x32: {  	v2 =	vld [tilespmem:s10+$0x6400];
	v6 =	vmul.f32 $8.000000000e+00, v3;
	[tilespmem:s1+$0x12C30] =	vst v4  }
0x33: {  	v3 =	vld [tilespmem:s10+$0x6410];
	[tilespmem:s1+$0x12C00] =	vst v5;
	v4 =	vmul.f32 $8.000000000e+00, v0  }
0x34: {  	v0 =	vld [tilespmem:s10+$0x6420];
	[tilespmem:s1+$0x12C10] =	vst v6  }
0x35: {  	[tilespmem:s1+$0x12C20] =	vst v4;
	s1 =	smov.u32 s10  }
0x36: {  	v1 =	vmul.f32 $8.000000000e+00, v1  }
0x37: {  	v2 =	vmul.f32 $8.000000000e+00, v2  }
0x38: {  	s0 =	sadd.s32 s5, s31;
	v3 =	vmul.f32 $8.000000000e+00, v3;
	[tilespmem:s1+$0x12C30] =	vst v1  }
0x39: {  	s0 =	smul.u32 $0x640, s0;
	[tilespmem:s1+$0x12C00] =	vst v2;
	v0 =	vmul.f32 $8.000000000e+00, v0  }
0x3a: {  	p1 =	seq.s32 s30, $0x1F;
	[tilespmem:s1+$0x12C10] =	vst v3  }
0x3b: {  	s0 =	sadd.s32 s2, s0;
	[tilespmem:s1+$0x12C20] =	vst v0;
	s1 =	smul.u32 @!p1 $0xC80, s30  }
0x3c: {  	[hbm4b:s0+s3] =	stream.linear.scatter [tilespmem:s17], [sflag:$0x5], $0x3200, $0x38;
	[tilespmem:$0x1F400] =	vst v63  }
0x3d: {  	s1 =	sshra.s32 @!p1 s1, $0x2  }
0x3e: {  	s10 =	simm.s32 @!p1 $0xC8;
	s11 =	simm.s32 @!p1 $0x6400;
	s0 =	sadd.s32 @!p1 $0x320, s1  }
0x3f: {  	[tilespmem:s11], [sflag:$0x1] =	stream.indirect.gather @!p1 [hbm4b:s4+s10], $0x40, s0, s10, $0xb8;
	[tilespmem:$0x1F400] =	vst v63  }
0x40: {  	_ =	swait.ge [sflag:s18], $0x3200  }
0x41: {  	[sflag:s18] =	ssyncset.done $0x0  }
0x42: {  	s0 =	simm.s32 @!p0 $0x6;
	[sflag:s18] =	ssyncadd.s32 $0xFFFFCE00  }
0x43: {  	_ =	swait.ge @!p0 [sflag:s0], $0x3200  }
0x44: {  	[sflag:s0] =	ssyncset.done @!p0 $0x0  }
0x45: {  	[sflag:s0] =	ssyncadd.s32 @!p0 $0xFFFFCE00;
	s0 =	simm.s32 $0x0  }
0x46: {  	v1 =	vld [tilespmem:s0+$0x9630]  }
0x47: {  	v2 =	vld [tilespmem:s0+$0x9600]  }
0x48: {  	v3 =	vld [tilespmem:s0+$0x9610]  }
0x49: {  	v0 =	vld [tilespmem:s0+$0x9620]  }
0x4a: {  	s10 =	sor.u32 $0x1, s31;
	s11 =	simm.s32 $0x100  }
.LBB2_5:
0x4b: {  	s12 =	sshra.s32 s11, $0x2;
	p2 =	sne.s32 s11, $0xC700;
	s11 =	sadd.s32 $0x100, s11;
	v4 =	vmul.f32 $8.000000000e+00, v1  }
.Ltmp3:
0x4c: {  	v1 =	vld [tilespmem:s12+$0x9630];
	v5 =	vmul.f32 $8.000000000e+00, v2;
	(pc) =	sbr.rel @p2 .LBB2_5-.Ltmp3, $4  }
0x4d: {  	v2 =	vld [tilespmem:s12+$0x9600];
	v6 =	vmul.f32 $8.000000000e+00, v3;
	[tilespmem:s0+$0x15E30] =	vst v4  }
0x4e: {  	v3 =	vld [tilespmem:s12+$0x9610];
	[tilespmem:s0+$0x15E00] =	vst v5;
	v4 =	vmul.f32 $8.000000000e+00, v0  }
0x4f: {  	v0 =	vld [tilespmem:s12+$0x9620];
	[tilespmem:s0+$0x15E10] =	vst v6  }
0x50: {  	[tilespmem:s0+$0x15E20] =	vst v4;
	s0 =	smov.u32 s12  }
0x51: {  	v1 =	vmul.f32 $8.000000000e+00, v1  }
0x52: {  	v2 =	vmul.f32 $8.000000000e+00, v2  }
0x53: {  	s10 =	sadd.s32 s5, s10;
	v3 =	vmul.f32 $8.000000000e+00, v3;
	[tilespmem:s0+$0x15E30] =	vst v1  }
0x54: {  	s10 =	smul.u32 $0x640, s10;
	[tilespmem:s0+$0x15E00] =	vst v2;
	v0 =	vmul.f32 $8.000000000e+00, v0  }
0x55: {  	[tilespmem:s0+$0x15E10] =	vst v3  }
0x56: {  	s12 =	sadd.s32 s2, s10;
	[tilespmem:s0+$0x15E20] =	vst v0  }
0x57: {  	[hbm4b:s12+s3] =	stream.linear.scatter [tilespmem:s19], [sflag:$0x6], $0x3200, $0x38;
	[tilespmem:$0x1F400] =	vst v63  }
0x58: {  	s11 =	simm.s32 @!p1 $0x9600;
	s10 =	simm.s32 @!p1 $0xC8;
	s0 =	sadd.s32 @!p1 $0x3E8, s1  }
0x59: {  	[tilespmem:s11], [sflag:$0x2] =	stream.indirect.gather @!p1 [hbm4b:s4+s10], $0x40, s0, s10, $0xb8;
	[tilespmem:$0x1F400] =	vst v63  }
0x5a: {  	_ =	swait.ge [sflag:s20], $0x3200  }
0x5b: {  	[sflag:s20] =	ssyncset.done $0x0  }
0x5c: {  	s0 =	simm.s32 @!p0 $0x7;
	[sflag:s20] =	ssyncadd.s32 $0xFFFFCE00  }
0x5d: {  	_ =	swait.ge @!p0 [sflag:s0], $0x3200  }
0x5e: {  	[sflag:s0] =	ssyncset.done @!p0 $0x0  }
0x5f: {  	[sflag:s0] =	ssyncadd.s32 @!p0 $0xFFFFCE00;
	s0 =	simm.s32 $0x0  }
0x60: {  	v1 =	vld [tilespmem:s0+$0xC830]  }
0x61: {  	v2 =	vld [tilespmem:s0+$0xC800]  }
0x62: {  	v3 =	vld [tilespmem:s0+$0xC810]  }
0x63: {  	v0 =	vld [tilespmem:s0+$0xC820]  }
0x64: {  	s10 =	sor.u32 $0x2, s31;
	s11 =	simm.s32 $0x100  }
.LBB2_7:
0x65: {  	s12 =	sshra.s32 s11, $0x2;
	p2 =	sne.s32 s11, $0xC700;
	s11 =	sadd.s32 $0x100, s11;
	v4 =	vmul.f32 $8.000000000e+00, v1  }
.Ltmp4:
0x66: {  	v1 =	vld [tilespmem:s12+$0xC830];
	v5 =	vmul.f32 $8.000000000e+00, v2;
	(pc) =	sbr.rel @p2 .LBB2_7-.Ltmp4, $4  }
0x67: {  	v2 =	vld [tilespmem:s12+$0xC800];
	v6 =	vmul.f32 $8.000000000e+00, v3;
	[tilespmem:s0+$0x19030] =	vst v4  }
0x68: {  	v3 =	vld [tilespmem:s12+$0xC810];
	[tilespmem:s0+$0x19000] =	vst v5;
	v4 =	vmul.f32 $8.000000000e+00, v0  }
0x69: {  	v0 =	vld [tilespmem:s12+$0xC820];
	[tilespmem:s0+$0x19010] =	vst v6  }
0x6a: {  	[tilespmem:s0+$0x19020] =	vst v4;
	s0 =	smov.u32 s12  }
0x6b: {  	v1 =	vmul.f32 $8.000000000e+00, v1  }
0x6c: {  	v2 =	vmul.f32 $8.000000000e+00, v2  }
0x6d: {  	s10 =	sadd.s32 s5, s10;
	v3 =	vmul.f32 $8.000000000e+00, v3;
	[tilespmem:s0+$0x19030] =	vst v1  }
0x6e: {  	s10 =	smul.u32 $0x640, s10;
	[tilespmem:s0+$0x19000] =	vst v2;
	v0 =	vmul.f32 $8.000000000e+00, v0  }
0x6f: {  	[tilespmem:s0+$0x19010] =	vst v3  }
0x70: {  	s12 =	sadd.s32 s2, s10;
	[tilespmem:s0+$0x19020] =	vst v0  }
0x71: {  	[hbm4b:s12+s3] =	stream.linear.scatter [tilespmem:s21], [sflag:$0x7], $0x3200, $0x38;
	[tilespmem:$0x1F400] =	vst v63  }
0x72: {  	s10 =	simm.s32 @!p1 $0xC800;
	s0 =	sadd.s32 @!p1 $0x4B0, s1;
	s1 =	simm.s32 @!p1 $0xC8  }
0x73: {  	[tilespmem:s10], [sflag:$0x3] =	stream.indirect.gather @!p1 [hbm4b:s4+s1], $0x40, s0, s1, $0xb8;
	[tilespmem:$0x1F400] =	vst v63  }
0x74: {  	_ =	swait.ge [sflag:s22], $0x3200  }
0x75: {  	[sflag:s22] =	ssyncset.done $0x0  }
0x76: {  	s0 =	simm.s32 @!p0 $0x8;
	[sflag:s22] =	ssyncadd.s32 $0xFFFFCE00  }
0x77: {  	_ =	swait.ge @!p0 [sflag:s0], $0x3200  }
0x78: {  	[sflag:s0] =	ssyncset.done @!p0 $0x0  }
0x79: {  	[sflag:s0] =	ssyncadd.s32 @!p0 $0xFFFFCE00;
	s0 =	simm.s32 $0x0  }
0x7a: {  	v1 =	vld [tilespmem:s0+$0xFA30]  }
0x7b: {  	v2 =	vld [tilespmem:s0+$0xFA00]  }
0x7c: {  	v3 =	vld [tilespmem:s0+$0xFA10]  }
0x7d: {  	v0 =	vld [tilespmem:s0+$0xFA20]  }
0x7e: {  	s1 =	sor.u32 $0x3, s31;
	s10 =	simm.s32 $0x100  }
.LBB2_9:
0x7f: {  	s11 =	sshra.s32 s10, $0x2;
	p0 =	sne.s32 s10, $0xC700;
	s10 =	sadd.s32 $0x100, s10;
	v4 =	vmul.f32 $8.000000000e+00, v1  }
.Ltmp5:
0x80: {  	v1 =	vld [tilespmem:s11+$0xFA30];
	v5 =	vmul.f32 $8.000000000e+00, v2;
	(pc) =	sbr.rel @p0 .LBB2_9-.Ltmp5, $4  }
0x81: {  	v2 =	vld [tilespmem:s11+$0xFA00];
	v6 =	vmul.f32 $8.000000000e+00, v3;
	[tilespmem:s0+$0x1C230] =	vst v4  }
0x82: {  	v3 =	vld [tilespmem:s11+$0xFA10];
	[tilespmem:s0+$0x1C200] =	vst v5;
	v4 =	vmul.f32 $8.000000000e+00, v0  }
0x83: {  	v0 =	vld [tilespmem:s11+$0xFA20];
	[tilespmem:s0+$0x1C210] =	vst v6  }
0x84: {  	[tilespmem:s0+$0x1C220] =	vst v4;
	s0 =	smov.u32 s11  }
0x85: {  	v1 =	vmul.f32 $8.000000000e+00, v1  }
0x86: {  	v2 =	vmul.f32 $8.000000000e+00, v2  }
.Ltmp6:
0x87: {  	s1 =	sadd.s32 s5, s1;
	v3 =	vmul.f32 $8.000000000e+00, v3;
	[tilespmem:s0+$0x1C230] =	vst v1;
	(pc) =	sbr.rel @p1 .LBB2_12-.Ltmp6, $4  }
0x88: {  	s1 =	smul.u32 $0x640, s1;
	[tilespmem:s0+$0x1C200] =	vst v2;
	v0 =	vmul.f32 $8.000000000e+00, v0  }
0x89: {  	[tilespmem:s0+$0x1C210] =	vst v3  }
0x8a: {  	s31 =	sadd.s32 s2, s1;
	[tilespmem:s0+$0x1C220] =	vst v0  }
0x8b: {  	[hbm4b:s31+s3] =	stream.linear.scatter [tilespmem:s23], [sflag:$0x8], $0x3200, $0x38;
	[tilespmem:$0x1F400] =	vst v63  }
0x8c: {  	s0 =	smul.u32 $0xC80, s30  }
.Ltmp7:
0x8d: {  	_ = 	snop;
	(pc) =	sbr.rel .LBB2_2-.Ltmp7, $4  }
0x8e: {  	_ = 	snop  }
0x8f: {  	s0 =	sshra.s32 s0, $0x2  }
0x90: {  	s30 =	sadd.s32 $0x1, s30;
	s0 =	sadd.s32 $0x578, s0  }
0x91: {  	[tilespmem:s15], [sflag:$0x4] =	stream.indirect.gather [hbm4b:s4+s9], $0x40, s0, s9, $0xb8;
	[tilespmem:$0x1F400] =	vst v63  }
.LBB2_13:
0x92: {  	_ =	sfence.sel $0x180000  }
0x93: {  	[bflag:$0x0] =	sbarrier.arrive $0xFFFF  }
0x94: {  	_ =	strace $0x90000047  }
0x95: {  	s0 =	stileid.u32;
	[bflag:$0x2] =	sbarrier.arrive $0xFFFF  }
0x96: {  	p0 =	sne.s32 s0, $0x0;
	s0 =	rddreg [dreg:$0x2]  }
0x97: {  	s0 =	sadd.s32 @!p0 $0x100000, s0  }
0x98: {  	[sflag:s0] =	ssyncadd.tile.s32 @!p0 $0x1;
	_ =	shalt  }
.Lfunc_end2:
_tile_overlayer_lowered:
.L_overlay_start_2:
0x99: {  	(tag) =	ssettag $0x2  }
0x9a: {  	s0 =	rddreg [dreg:$0x0];
	s2 =	stileid.u32  }
0x9b: {  	s1 =	rddreg [dreg:$0x1];
	p0 =	sne.s32 s2, $0x0  }
0x9c: {  	s3 =	rddreg [dreg:$0x2];
	[bflag:$0x3] =	sbarrier.arrive $0xFFFF;
	s2 =	simm.s32 @!p0 $0x1C09  }
0x9d: {  	[timem:s3], [sflag:s2] =	dma.local @!p0 [hbm:s0], s1  }
0x9e: {  	s0 =	simm.s32 @!p0 $0x9  }
0x9f: {  	_ =	swait.ge @!p0 [sflag:s0], s1  }
0xa0: {  	s1 =	ssub.s32 @!p0 $0x0, s1;
	[sflag:s0] =	ssyncset.done @!p0 $0x0  }
0xa1: {  	[sflag:s0] =	ssyncadd.s32 @!p0 s1  }
0xa2: {  	[bflag:$0x3] =	sbarrier.arrive $0xFFFF  }
0xa3: {  	_ =	shalt  }

// kernel: sparse-core-data-format-call.cloned.1.call-start
scs
called_computation_lowered:
.L_overlay_start_0:
0x0: {  	s2 =	sld [smem:$0x3FD9]  }
0x1: {  	s3 =	sld [smem:$0x3FFE];
	_ =	sdelay $0x1  }
0x2: {  	s1 =	srdreg.scid  }
0x3: {  	s0 =	sand.u32 $0x1, s1  }
0x4: {  	s18 =	sshll.u32 s0, $0xA;
	s2 =	sadd.s32 s3, s2  }
0x5: {  	s2 =	sadd.s32 s2, s18  }
0x6: {  	[smem:$0x3FC6] =	sst s2  }
0x7: {  	_ = 	snop  }
0x8: {  	s2 =	sld [smem:$0x3FD0];
	(tm) =	ssettm $0x1  }
0x9: {  	s19 =	sld [smem:$0x3FFB];
	_ =	sdelay $0x3  }
0xa: {  	_ =	strace s19  }
0xb: {  	s3 =	sld [smem:$0x3FFC];
	_ =	sdelay $0x3  }
0xc: {  	_ =	strace s3  }
0xd: {  	s3 =	sld [smem:$0x3FFD];
	_ =	sdelay $0x3  }
0xe: {  	_ =	strace s3  }
0xf: {  	_ =	strace $0x8FFFFFFF  }
0x10: {  	s20 =	sld [smem:$0x3FDB];
	_ =	sdelay $0x1  }
0x11: {  	s4 =	simm.s32 $_scs_section_size  }
0x12: {  	s5 =	simm.s32 $_size__tile_overlayer_lowered;
	s6 =	simm.s32 $_tile_overlayer_lowered  }
0x13: {  	s23 =	simm.s32 $0x1BFF;
	s22 =	sshll.u32 s6, $0x1;
	s3 =	sadd.s32 s4, s20  }
0x14: {  	s7 =	simm.s32 $0x0;
	s21 =	sshll.u32 s5, $0x1;
	s5 =	sadd.s32 s22, s3  }
0x15: {  	[timem:s7], [sflag:s23] =	dma.local [hbm:s5], s21  }
0x16: {  	_ =	swait.ge [sflag:s23], s21  }
0x17: {  	s4 =	ssub.s32 $0x0, s21;
	[sflag:s23] =	ssyncset.done $0x0  }
0x18: {  	[sflag:s23] =	ssyncadd.s32 s4;
	_ =	sdelay $0x1  }
0x19: {  	s24 =	simm.s32 $0x1B8B  }
0x1a: {  	_ =	swait.ge [sflag:s24], $0x1  }
0x1b: {  	[sflag:s24] =	ssyncset.done $0x0  }
0x1c: {  	s26 =	simm.s32 $0x1B8E;
	s25 =	sld [smem:$0x3FFE];
	[sflag:s24] =	ssyncadd.s32 $0xFFFFFFFF  }
0x1d: {  	s27 =	simm.s32 $execute0_lowered;
	[smem:$0x3FD2] =	sst s26  }
0x1e: {  	s5 =	sshll.u32 s27, $0x1;
	_ =	strace $0x80000049;
	[dreg:$0x1] =	wrdreg $0xFFFFFFFF  }
0x1f: {  	s28 =	simm.s32 $_size_execute0_lowered;
	s3 =	sadd.s32 s3, s5;
	[dreg:$0x0] =	wrdreg $0x0  }
0x20: {  	s5 =	sshll.u32 s28, $0x1;
	[dreg:$0x2] =	wrdreg s3  }
0x21: {  	[dreg:$0x3] =	wrdreg s5  }
0x22: {  	[dreg:$0x4] =	wrdreg $0xC0  }
0x23: {  	_ =	task [dreg:s7], $0x5FFFF  }
0x24: {  	[dreg:$0x1] =	wrdreg $0xFFFFFFFF  }
0x25: {  	[dreg:$0x0] =	wrdreg $0x60  }
0x26: {  	[dreg:$0x2] =	wrdreg s25  }
0x27: {  	[dreg:$0x3] =	wrdreg s2  }
0x28: {  	[dreg:$0x4] =	wrdreg $0x9  }
0x29: {  	_ =	task.clear_ibuf [dreg:s7], $0x5FFFF;
	_ =	strace $0x90000049  }
0x2a: {  	s29 =	simm.s32 $0x9;
	_ =	strace $0x8000004B  }
0x2b: {  	_ =	swait.ge [sflag:s29], $0x1  }
0x2c: {  	[sflag:s29] =	ssyncadd.s32 $0xFFFFFFFF  }
0x2d: {  	_ =	strace $0x9000004B  }
0x2e: {  	_ =	sfence  }
0x2f: {  	s30 =	sld [smem:$0x0];
	_ =	sdelay $0x2  }
0x30: {  	s31 =	sshll.u32 s1, $0xD;
	s1 =	sshrl.u32 s1, $0x2  }
0x31: {  	s3 =	sand.u32 $0x4000, s31;
	s1 =	sadd.s32 s1, s30  }
0x32: {  	s0 =	sor.u32 s3, s0;
	s1 =	sshll.u32 s1, $0x11  }
0x33: {  	s0 =	sor.u32 s1, s0  }
0x34: {  	s0 =	sadd.s32 $0x8F2B, s0  }
0x35: {  	[sflag:s0] =	ssyncadd.remote.s32 $0x1  }
0x36: {  	_ =	sfence.sel $0xFFFF  }
0x37: {  	[dreg:$0x0] =	wrdreg $0xFFFFFFFF;
	(pc) =	sbr.abs _section_cstart, $3  }
0x38: {  	[dreg:$0x1] =	wrdreg $0xFFFFFFFF  }
0x39: {  	_ =	task.clear_ibuf [dreg:s7], $0x2FFFF;
	_ =	strace $0x9FFFFFFF  }
0x3a: {  	(tm) =	ssettm $0x7FFFFFFF  }
0x3b: {  	_ =	shalt  }
tec
execute0_lowered:
.L_overlay_start_1:
0x0: {  	(tag) =	ssettag $0x1  }
0x1: {  	s0 =	srdreg.scid  }
0x2: {  	s1 =	sshll.u32 s0, $0x4  }
0x3: {  	s0 =	stileid.u32;
	s1 =	sand.u32 $0x10, s1  }
0x4: {  	s1 =	sor.u32 s0, s1  }
0x5: {  	s6 =	rddreg [dreg:$0x0];
	s4 =	simm.s32 $0x1;
	s2 =	sshll.u32 s1, $0x7  }
0x6: {  	s7 =	simm.s32 $0x2;
	s12 =	simm.s32 $0x0;
	s1 =	ssub.s32 $0x1000, s2  }
0x7: {  	s8 =	simm.s32 $0x8000;
	s13 =	simm.s32 $0x0;
	s3 =	sand.u32 $0xF80, s1  }
0x8: {  	s9 =	simm.s32 $0x0;
	s5 =	sshrl.u32 s1, $0xC;
	p0 =	sne.s32 s3, $0x0  }
.Ltmp0:
0x9: {  	s1 =	rddreg [dreg:$0x2];
	s4 =	simm.s32 @!p0 $0x0;
	(pc) =	sbr.rel .LBB1_1-.Ltmp0, $4  }
0xa: {  	s11 =	simm.s32 $0x0;
	s3 =	rddreg [dreg:$0x1];
	s5 =	sadd.s32 s4, s5  }
0xb: {  	_ =	strace $0x8000004A;
	s4 =	simm.s32 $0x1;
	s5 =	smul.u32 $0xC8, s5  }
0xc: {  	s6 =	sadd.s32 $0xA00, s6;
	s10 =	smov.u32 s2;
	[sflag:s4] =	ssyncpa.u1 $0x0  }
0xd: {  	p0 =	por $0x0, $0x0;
	[sflag:s7] =	ssyncpa.u1 $0x0;
	s7 =	sor.u32 $0x1, s5  }
.LBB1_4:
0xe: {  	s16 =	sshll.u32 s13, $0x3;
	s17 =	sand.u32 $0x78, s13  }
0xf: {  	s30 =	sand.u32 $0x7E00, s13;
	s12 =	sshll.u32 s12, $0xF;
	s16 =	sand.u32 $0xC00, s16  }
0x10: {  	[tilespmem:s15+$0x810 ss:$0x81] =	vst.msk $0xffff, v2;
	s31 =	sand.u32 $0x7, s13;
	s16 =	sor.u32 s17, s16;
	s17 =	sadd.s32 s3, s30  }
0x11: {  	[tilespmem:s15+$0x1020 ss:$0x81] =	vst.msk $0xffff, v0;
	s13 =	sshll.u32 s31, $0x12;
	s12 =	sadd.s32 s12, s17;
	s16 =	sshrl.u32 s16, $0x3  }
0x12: {  	[tilespmem:s15+$0x0 ss:$0x81] =	vst.msk $0xffff, v1;
	s13 =	sor.u32 $0x400, s13;
	s12 =	sadd.s32 s16, s12  }
0x13: {  	[hbm4b:s12+s13] =	stream.strided.scatter [tilespmem:s14], [sflag:$0x2], $0x2000, s8, s13, $0x20;
	[tilespmem:$0x8080] =	vst v63  }
.LBB1_5:
0x14: {  	s14 =	sadd.s32 $0x1, s9  }
0x15: {  	s12 =	sadd.s32 $0x1000, s10;
	s16 =	smov.u32 s10;
	p2 =	sgt.s32 s14, $0xC7  }
0x16: {  	s16 =	smov.u32 @p2 s12  }
0x17: {  	s14 =	simm.s32 @p2 $0x0;
	p2 =	sgt.s32 s16, $0xFFF  }
0x18: {  	s16 =	smov.u32 @p2 s2;
	p2 =	sne.s32 s11, s7  }
.Ltmp1:
0x19: {  	p1 =	slt.u32 s11, $0x2;
	(pc) =	sbr.rel @!p2 .LBB1_6-.Ltmp1, $4  }
0x1a: {  	s15 =	simm.s32 @!p1 $0x2  }
0x1b: {  	s13 =	smov.u32 s10;
	p0 =	por !p0, !p0;
	_ =	swait.ge @!p1 [sflag:s15], $0x2000  }
0x1c: {  	s12 =	smov.u32 s9;
	[sflag:s15] =	ssyncset.done @!p1 $0x0;
	s9 =	smov.u32 s14  }
0x1d: {  	s11 =	sadd.s32 $0x1, s11;
	[sflag:s15] =	ssyncadd.s32 @!p1 $0xFFFFE000;
	s10 =	smov.u32 s16  }
.LBB1_1:
0x1e: {  	p1 =	sge.u32 s11, s5  }
0x1f: {  	s14 =	sand.u32 @!p1 $0x1FFFFFF, s9  }
0x20: {  	s15 =	smulhi.u32 @!p1 $0x147AE15, s14;
	_ =	sdelay $0x1  }
0x21: {  	s15 =	smul.u32 @!p1 $0xC8, s15  }
0x22: {  	s16 =	sxor.u32 @!p1 $0xFFFFFFFF, s11;
	s17 =	smul.u32 @!p1 $0xC80, s10  }
0x23: {  	s31 =	sadd.s32 $0xFFFFFFFF, s11;
	s16 =	sshll.u32 @!p1 s16, $0xD;
	s14 =	ssub.s32 @!p1 s14, s15  }
0x24: {  	s15 =	sand.u32 @!p1 $0x2000, s16;
	s16 =	sadd.s32 @!p1 s6, s17;
	s14 =	sshll.u32 @!p1 s14, $0x4  }
0x25: {  	s17 =	simm.s32 @!p1 $0x6400;
	s14 =	sadd.s32 @!p1 s14, s16;
	s16 =	simm.s32 @!p1 $0x40  }
0x26: {  	[tilespmem:s15], [sflag:$0x1] =	stream.strided.gather @!p1 [hbm4b:s14+s16], $0x2000, s17, s16, $0x38;
	[tilespmem:$0x8080] =	vst v63  }
0x27: {  	p1 =	sge.u32 s31, s5  }
.Ltmp2:
0x28: {  	_ = 	snop;
	(pc) =	sbr.rel @p1 .LBB1_5-.Ltmp2, $1  }
0x29: {  	_ =	sdelay $0x3  }
0x2a: {  	s14 =	simm.s32 $0x1  }
0x2b: {  	_ =	swait.ge [sflag:s4], $0x2000;
	s14 =	simm.s32 @!p0 $0x0  }
0x2c: {  	[sflag:s4] =	ssyncset.done $0x0;
	s15 =	sshll.u32 s14, $0xD  }
0x2d: {  	[sflag:s4] =	ssyncadd.s32 $0xFFFFE000;
	s18 =	sor.u32 $0x20, s15  }
0x2e: {  	s14 =	smul.u32 $0x8100, s14;
	v3 =	vld [tilespmem:s18+$0x10]  }
0x2f: {  	s30 =	sand.u32 $0x1, s11;
	v2 =	vld [tilespmem:s18+$0xFFFFFFF0]  }
0x30: {  	s15 =	smul.u32 $0x8100, s30;
	s14 =	sshrl.u32 s14, $0x2;
	v0 =	vld [tilespmem:s18+$0x0]  }
0x31: {  	v1 =	vld [tilespmem:s18+$0xFFFFFFE0];
	s16 =	sor.u32 $0x4000, s14  }
0x32: {  	s31 =	sshrl.u32 s15, $0x2;
	s15 =	sadd.s32 $0x0, s16  }
0x33: {  	s17 =	simm.s32 $0x4;
	s18 =	sadd.s32 $0x40, s18;
	s14 =	sor.u32 $0x4000, s31;
	[tilespmem:s15+$0x1830 ss:$0x81] =	vst.msk $0xffff, v3  }
.LBB1_3:
0x34: {  	v3 =	vld [tilespmem:s18+$0x10];
	p1 =	sne.s32 s17, $0x1FC;
	[tilespmem:s15+$0x810 ss:$0x81] =	vst.msk $0xffff, v2;
	s19 =	smov.u32 s17;
	s17 =	sadd.s32 $0x4, s17  }
.Ltmp3:
0x35: {  	v2 =	vld [tilespmem:s18+$0xFFFFFFF0];
	[tilespmem:s15+$0x1020 ss:$0x81] =	vst.msk $0xffff, v0;
	(pc) =	sbr.rel @p1 .LBB1_3-.Ltmp3, $4  }
0x36: {  	v0 =	vld [tilespmem:s18+$0x0];
	[tilespmem:s15+$0x0 ss:$0x81] =	vst.msk $0xffff, v1  }
0x37: {  	s15 =	sshra.s32 s19, $0x2;
	v1 =	vld [tilespmem:s18+$0xFFFFFFE0]  }
0x38: {  	s15 =	sadd.s32 s15, s16  }
0x39: {  	s18 =	sadd.s32 $0x40, s18;
	[tilespmem:s15+$0x1830 ss:$0x81] =	vst.msk $0xffff, v3  }
.Ltmp4:
0x3a: {  	_ = 	snop;
	(pc) =	sbr.rel .LBB1_4-.Ltmp4, $1  }
0x3b: {  	_ =	sdelay $0x3  }
.LBB1_6:
0x3c: {  	_ =	sfence.sel $0x180000  }
0x3d: {  	s2 =	simm.s32 $0x1;
	[bflag:$0x0] =	sbarrier.arrive $0xFFFF  }
0x3e: {  	s31 =	simm.s32 $0x2;
	[sflag:s2] =	ssyncpa.u1 $0x1  }
0x3f: {  	[sflag:s31] =	ssyncpa.u1 $0x1  }
0x40: {  	p0 =	sne.s32 s0, $0x0;
	_ =	strace $0x9000004A  }
0x41: {  	s0 =	sadd.s32 @!p0 $0x100000, s1;
	[bflag:$0x2] =	sbarrier.arrive $0xFFFF  }
0x42: {  	[sflag:s0] =	ssyncadd.tile.s32 @!p0 $0x1;
	_ =	shalt  }
.Lfunc_end1:
_tile_overlayer_lowered:
.L_overlay_start_2:
0x43: {  	(tag) =	ssettag $0x2  }
0x44: {  	s0 =	rddreg [dreg:$0x0];
	s2 =	stileid.u32  }
0x45: {  	s1 =	rddreg [dreg:$0x1];
	p0 =	sne.s32 s2, $0x0  }
0x46: {  	s3 =	rddreg [dreg:$0x2];
	[bflag:$0x3] =	sbarrier.arrive $0xFFFF;
	s2 =	simm.s32 @!p0 $0x1C01  }
0x47: {  	[timem:s3], [sflag:s2] =	dma.local @!p0 [hbm:s0], s1  }
0x48: {  	s0 =	simm.s32 @!p0 $0x1  }
0x49: {  	_ =	swait.ge @!p0 [sflag:s0], s1  }
0x4a: {  	s1 =	ssub.s32 @!p0 $0x0, s1;
	[sflag:s0] =	ssyncset.done @!p0 $0x0  }
0x4b: {  	[sflag:s0] =	ssyncadd.s32 @!p0 s1  }
0x4c: {  	[bflag:$0x3] =	sbarrier.arrive $0xFFFF  }
0x4d: {  	_ =	shalt  }

</sc_bundles>
